<compile_context>
chip_gen: v7x
topology: tpu7x:2x2x1
jax: 0.10.2.dev20260603
libtpu: 0.0.44.dev20260713+nightly
codegen_flags: <defaults>
</compile_context>

<pallas_src>
import functools

import jax
import jax.numpy as jnp
from jax import lax
from jax.experimental import pallas as pl
from jax.experimental.pallas import tpu as pltpu
from jax.experimental.pallas import tpu_sc as plsc

N = 10000
E = 320000
D = 128
G = 64

NC = 2
NS = 16
CHUNK = 64
NBUF = 4
NTILES = NC * NS
CPT = 160
EPT = CPT * CHUNK
E_PAD = NTILES * EPT
HCPT = 40
NST = CPT // HCPT
N_PAD = 10112
ROWS_PER_SID = N_PAD // NS


def _sc_scatter_kernel():
    mesh = plsc.VectorSubcoreMesh(
        core_axis_name="c", subcore_axis_name="s", num_cores=NC, num_subcores=NS
    )

    @functools.partial(
        pl.kernel,
        mesh=mesh,
        out_type=jax.ShapeDtypeStruct((NC, N_PAD, D), jnp.float32),
        scratch_types=[
            pltpu.VMEM((HCPT, CHUNK), jnp.int32),
            pltpu.VMEM((HCPT, CHUNK), jnp.int32),
            [pltpu.VMEM((CHUNK, D), jnp.float32)] * NBUF,
            [pltpu.SemaphoreType.DMA] * NBUF,
            pltpu.VMEM_SHARED((N_PAD, D), jnp.float32),
        ],
    )
    def body(x_hbm, src_hbm, dst_hbm, zeros_hbm, out_hbm,
             src_v, dst_v, rows, sems, agg_sh):
        cid = lax.axis_index("c")
        sid = lax.axis_index("s")

        r0 = sid * ROWS_PER_SID
        with jax.named_scope("zinit"):
            pltpu.sync_copy(
                zeros_hbm.at[pl.ds(r0, ROWS_PER_SID)], agg_sh.at[pl.ds(r0, ROWS_PER_SID)]
            )
            plsc.subcore_barrier()

        def wait_rows(buf, sem):
            pltpu.make_async_copy(zeros_hbm.at[pl.ds(0, CHUNK)], buf, sem).wait()

        def fire(b, c):
            pltpu.async_copy(x_hbm.at[src_v.at[c]], rows[b], sems[b])

        def run_stage(h):
            pltpu.sync_copy(src_hbm.at[cid, sid, pl.ds(h * HCPT, HCPT)], src_v)
            pltpu.sync_copy(dst_hbm.at[cid, sid, pl.ds(h * HCPT, HCPT)], dst_v)
            for b in range(NBUF):
                fire(b, b)

            def pipe_body(i, carry):
                for b in range(NBUF):
                    c = i * NBUF + b
                    wait_rows(rows[b], sems[b])
                    pltpu.sync_copy(rows[b], agg_sh.at[dst_v.at[c]], add=True)

                    @pl.when(c + NBUF < HCPT)
                    def _refill(b=b, c=c):
                        fire(b, c + NBUF)

                return carry

            lax.fori_loop(0, HCPT // NBUF, pipe_body, 0)

        with jax.named_scope("edges"):
            for h in range(NST):
                run_stage(h)
            plsc.subcore_barrier()

        with jax.named_scope("outcpy"):
            pltpu.sync_copy(
                agg_sh.at[pl.ds(r0, ROWS_PER_SID)], out_hbm.at[cid, pl.ds(r0, ROWS_PER_SID)]
            )

    return body


_SC_SCATTER_CACHE = []


def _get_sc_scatter():
    if not _SC_SCATTER_CACHE:
        _SC_SCATTER_CACHE.append(_sc_scatter_kernel())
    return _SC_SCATTER_CACHE[0]


BLK = 5000
NBLK = N // BLK


def _tc_dense_body(p0_ref, p1_ref, x_ref, gid_ref, wmsg_ref, wupd_ref, wcls_ref,
                   b_ref, out_ref, gacc, wf):
    i = pl.program_id(0)

    @pl.when(i == 0)
    def _init():
        gacc[...] = jnp.zeros((G, D), jnp.float32)
        wf[...] = jnp.dot(
            wmsg_ref[...], wupd_ref[...],
            preferred_element_type=jnp.float32, precision=lax.Precision.HIGHEST,
        )

    aggsum = p0_ref[...] + p1_ref[...]
    h = jnp.dot(aggsum, wf[...], preferred_element_type=jnp.float32,
                precision=lax.Precision.HIGHEST) + x_ref[...]
    h = jnp.maximum(h, 0.0)

    ids = gid_ref[0, 0, :]
    onehot = (lax.broadcasted_iota(jnp.int32, (G, BLK), 0) == ids[None, :]
              ).astype(jnp.float32)
    gacc[...] += jnp.dot(onehot, h, preferred_element_type=jnp.float32,
                         precision=lax.Precision.HIGHEST)

    @pl.when(i == NBLK - 1)
    def _fin():
        logits = jnp.dot(gacc[...], wcls_ref[...], preferred_element_type=jnp.float32,
                         precision=lax.Precision.HIGHEST) + b_ref[0, 0]
        out_ref[...] = jax.nn.sigmoid(logits)


_TC_DENSE = pl.pallas_call(
    _tc_dense_body,
    grid=(NBLK,),
    in_specs=[
        pl.BlockSpec((BLK, D), lambda i: (i, 0)),
        pl.BlockSpec((BLK, D), lambda i: (i, 0)),
        pl.BlockSpec((BLK, D), lambda i: (i, 0)),
        pl.BlockSpec((1, 1, BLK), lambda i: (i, 0, 0)),
        pl.BlockSpec((D, D), lambda i: (0, 0)),
        pl.BlockSpec((D, D), lambda i: (0, 0)),
        pl.BlockSpec((D, D), lambda i: (0, 0)),
        pl.BlockSpec(memory_space=pltpu.SMEM),
    ],
    out_specs=pl.BlockSpec((G, D), lambda i: (0, 0)),
    out_shape=jax.ShapeDtypeStruct((G, D), jnp.float32),
    scratch_shapes=[
        pltpu.VMEM((G, D), jnp.float32),
        pltpu.VMEM((D, D), jnp.float32),
    ],
)


def kernel(x, edge_index, graph_ids, W_msg, W_upd, W_cls, b_cls):
    src = edge_index[0]
    dst = edge_index[1]
    pad = E_PAD - E
    src_pad_rows = jnp.arange(pad, dtype=jnp.int32) % N
    src_p = jnp.concatenate([src, src_pad_rows])
    dst_pad_rows = N + jnp.arange(pad, dtype=jnp.int32) % (N_PAD - N)
    dst_p = jnp.concatenate([dst, dst_pad_rows])
    src_r = src_p.reshape(NC, NS, CPT, CHUNK)
    dst_r = dst_p.reshape(NC, NS, CPT, CHUNK)
    zeros = jnp.zeros((N_PAD, D), jnp.float32)

    partials = _get_sc_scatter()(x, src_r, dst_r, zeros)

    gid_r = graph_ids.reshape(NBLK, 1, BLK)
    wcls_pad = jnp.pad(W_cls, ((0, 0), (0, D - W_cls.shape[1])))
    out_full = _TC_DENSE(partials[0], partials[1], x, gid_r, W_msg, W_upd,
                         wcls_pad, b_cls.reshape(1, 1))
    return out_full[:, :1]

# --- scband reference (transcript-rebuilt; emitter-appended) ---
"""Pipeline reference for scband-gnn-binary-32152125178578 (READ-ONLY COPY).

The authoritative reference and input builder live on the scoring server;
editing this copy changes nothing except your own understanding.
"""

import jax, jax.numpy as jnp
import numpy as np

N = 10000
E = 320000
D = 128
G = 64

def setup_inputs(seed: int = 0) -> dict:
    key = jax.random.key(seed)
    ks = jax.random.split(key, 8)
    x = jax.random.normal(ks[0], (N, D), dtype=jnp.float32)
    edge_index = jax.random.randint(ks[1], (2, E), 0, N, dtype=jnp.int32)
    graph_ids = jnp.sort(jax.random.randint(ks[2], (N,), 0, G, dtype=jnp.int32))
    W_msg = jax.random.normal(ks[3], (D, D), dtype=jnp.float32) * (1.0 / np.sqrt(D))
    W_upd = jax.random.normal(ks[4], (D, D), dtype=jnp.float32) * (1.0 / np.sqrt(D))
    W_cls = jax.random.normal(ks[5], (D, 1), dtype=jnp.float32) * (1.0 / np.sqrt(D))
    b_cls = jnp.zeros((1,), dtype=jnp.float32)
    return {"x": x, "edge_index": edge_index, "graph_ids": graph_ids,
            "W_msg": W_msg, "W_upd": W_upd, "W_cls": W_cls, "b_cls": b_cls}

def reference(x, edge_index, graph_ids, W_msg, W_upd, W_cls, b_cls):
    # GNN message passing (one round, as in GnnClassifierBase.gnn):
    # gather source node states, transform, scatter-add to destinations.
    src = edge_index[0]
    dst = edge_index[1]
    msg = jnp.take(x, src, axis=0) @ W_msg            # gather + linear message
    agg = jax.ops.segment_sum(msg, dst, num_segments=N)  # scatter-add aggregation
    node_embed = jax.nn.relu(agg @ W_upd + x)          # node state update (residual)
    # graph readout: sum-pool node embeddings per graph in the packed batch
    graph_embed = jax.ops.segment_sum(node_embed, graph_ids, num_segments=G)
    # out_classifier + sigmoid (GnnBinary.forward, label=None path)
    logits = graph_embed @ W_cls + b_cls
    prob = jax.nn.sigmoid(logits)
    return prob

if __name__ == "__main__":
    import jax
    _d = setup_inputs()
    print(jax.jit(kernel)(*tuple(_d.values())))

</pallas_src>

<mosaic_0001>
#map = affine_map<(d0, d1) -> (0, 0)>
#map1 = affine_map<(d0, d1) -> (0, 0, 0, 0)>
#map2 = affine_map<(d0, d1) -> (0, 0, 0)>
module attributes {stable_mosaic.version = 14 : i64} {
  func.func @body(%arg0: i32, %arg1: i32, %arg2: memref<10000x128xf32, #tpu.memory_space<hbm>>, %arg3: memref<2x16x160x64xi32, #tpu.memory_space<hbm>>, %arg4: memref<2x16x160x64xi32, #tpu.memory_space<hbm>>, %arg5: memref<10112x128xf32, #tpu.memory_space<hbm>>, %arg6: memref<2x10112x128xf32, #tpu.memory_space<hbm>>, %arg7: memref<40x64xi32, #tpu.memory_space<vmem>>, %arg8: memref<40x64xi32, #tpu.memory_space<vmem>>, %arg9: memref<64x128xf32, #tpu.memory_space<vmem>>, %arg10: memref<64x128xf32, #tpu.memory_space<vmem>>, %arg11: memref<64x128xf32, #tpu.memory_space<vmem>>, %arg12: memref<64x128xf32, #tpu.memory_space<vmem>>, %arg13: memref<!tpu.dma_semaphore, #tpu.memory_space<semaphore_mem>>, %arg14: memref<!tpu.dma_semaphore, #tpu.memory_space<semaphore_mem>>, %arg15: memref<!tpu.dma_semaphore, #tpu.memory_space<semaphore_mem>>, %arg16: memref<!tpu.dma_semaphore, #tpu.memory_space<semaphore_mem>>, %arg17: memref<10112x128xf32, #tpu.memory_space<vmem_shared>>) attributes {dimension_semantics = [#tpu.dimension_semantics<core_parallel>, #tpu.dimension_semantics<subcore_parallel>], iteration_bounds = array<i64: 2, 16>, scalar_prefetch = 0 : i64, scratch_operands = 11 : i64, tpu.core_type = #tpu.core_type<sc_vector_subcore>, window_params = [{transform_indices = #map}, {transform_indices = #map1}, {transform_indices = #map1}, {transform_indices = #map}, {transform_indices = #map2}]} {
    %mul3A = arith.constant 632 : i32
    %mul3A_0 = arith.muli %arg1, %mul3A : i32
    "tpu.trace_start"() <{level = 10 : i32, message = "zinit"}> : () -> ()
    "tpu.region"() ({
      %run_scoped3A = tpu.sem_alloc : memref<!tpu.dma_semaphore, #tpu.memory_space<semaphore_mem>>
      %dma_start3A_136 = arith.constant 0 : i32
      %dma_start3A_137 = tpu.memref_slice %arg17[%mul3A_0, %dma_start3A_136] : memref<10112x128xf32, #tpu.memory_space<vmem_shared>> -> memref<632x128xf32, #tpu.memory_space<vmem_shared>>
      %dma_start3A_138 = arith.constant 0 : i32
      %dma_start3A_139 = tpu.memref_slice %arg5[%mul3A_0, %dma_start3A_138] : memref<10112x128xf32, #tpu.memory_space<hbm>> -> memref<632x128xf32, #tpu.memory_space<hbm>>
      tpu.enqueue_dma source(%dma_start3A_139 : memref<632x128xf32, #tpu.memory_space<hbm>>) target(%dma_start3A_137 : memref<632x128xf32, #tpu.memory_space<vmem_shared>>) target_semaphore(%run_scoped3A : memref<!tpu.dma_semaphore, #tpu.memory_space<semaphore_mem>>)
      %dma_wait3A = arith.constant 0 : i32
      %dma_wait3A_140 = tpu.memref_slice %arg17[%mul3A_0, %dma_wait3A] : memref<10112x128xf32, #tpu.memory_space<vmem_shared>> -> memref<632x128xf32, #tpu.memory_space<vmem_shared>>
      %dma_wait3A_141 = arith.constant 0 : i32
      %dma_wait3A_142 = tpu.memref_slice %arg5[%mul3A_0, %dma_wait3A_141] : memref<10112x128xf32, #tpu.memory_space<hbm>> -> memref<632x128xf32, #tpu.memory_space<hbm>>
      tpu.wait_dma2 semaphore(%run_scoped3A : memref<!tpu.dma_semaphore, #tpu.memory_space<semaphore_mem>>) src(%dma_wait3A_142 : memref<632x128xf32, #tpu.memory_space<hbm>>) dst(%dma_wait3A_140 : memref<632x128xf32, #tpu.memory_space<vmem_shared>>)
      tpu.yield
    }) : () -> ()
    %barrier3A = arith.constant 0 : index
    tpu.barrier barrier_id(%barrier3A)
    "tpu.trace_stop"() : () -> ()
    "tpu.trace_start"() <{level = 10 : i32, message = "edges"}> : () -> ()
    "tpu.region"() ({
      %run_scoped3A = tpu.sem_alloc : memref<!tpu.dma_semaphore, #tpu.memory_space<semaphore_mem>>
      %dma_start3A_136 = arith.constant 0 : i32
      %dma_start3A_137 = arith.constant 0 : i32
      %dma_start3A_138 = tpu.memref_slice %arg3[%arg0, %arg1, %dma_start3A_136, %dma_start3A_137] : memref<2x16x160x64xi32, #tpu.memory_space<hbm>> -> memref<1x1x40x64xi32, #tpu.memory_space<hbm>>
      %dma_start3A_139 = tpu.memref_squeeze %dma_start3A_138 : memref<1x1x40x64xi32, #tpu.memory_space<hbm>> -> memref<40x64xi32, #tpu.memory_space<hbm>>
      %dma_start3A_140 = arith.constant 0 : i32
      %dma_start3A_141 = arith.constant 0 : i32
      %dma_start3A_142 = tpu.memref_slice %arg3[%arg0, %arg1, %dma_start3A_140, %dma_start3A_141] : memref<2x16x160x64xi32, #tpu.memory_space<hbm>> -> memref<1x1x40x64xi32, #tpu.memory_space<hbm>>
      %dma_start3A_143 = tpu.memref_squeeze %dma_start3A_142 : memref<1x1x40x64xi32, #tpu.memory_space<hbm>> -> memref<40x64xi32, #tpu.memory_space<hbm>>
      tpu.enqueue_dma source(%dma_start3A_143 : memref<40x64xi32, #tpu.memory_space<hbm>>) target(%arg7 : memref<40x64xi32, #tpu.memory_space<vmem>>) target_semaphore(%run_scoped3A : memref<!tpu.dma_semaphore, #tpu.memory_space<semaphore_mem>>)
      %dma_wait3A = arith.constant 0 : i32
      %dma_wait3A_144 = arith.constant 0 : i32
      %dma_wait3A_145 = tpu.memref_slice %arg3[%arg0, %arg1, %dma_wait3A, %dma_wait3A_144] : memref<2x16x160x64xi32, #tpu.memory_space<hbm>> -> memref<1x1x40x64xi32, #tpu.memory_space<hbm>>
      %dma_wait3A_146 = tpu.memref_squeeze %dma_wait3A_145 : memref<1x1x40x64xi32, #tpu.memory_space<hbm>> -> memref<40x64xi32, #tpu.memory_space<hbm>>
      %dma_wait3A_147 = arith.constant 0 : i32
      %dma_wait3A_148 = arith.constant 0 : i32
      %dma_wait3A_149 = tpu.memref_slice %arg3[%arg0, %arg1, %dma_wait3A_147, %dma_wait3A_148] : memref<2x16x160x64xi32, #tpu.memory_space<hbm>> -> memref<1x1x40x64xi32, #tpu.memory_space<hbm>>
      %dma_wait3A_150 = tpu.memref_squeeze %dma_wait3A_149 : memref<1x1x40x64xi32, #tpu.memory_space<hbm>> -> memref<40x64xi32, #tpu.memory_space<hbm>>
      tpu.wait_dma2 semaphore(%run_scoped3A : memref<!tpu.dma_semaphore, #tpu.memory_space<semaphore_mem>>) src(%dma_wait3A_150 : memref<40x64xi32, #tpu.memory_space<hbm>>) dst(%arg7 : memref<40x64xi32, #tpu.memory_space<vmem>>)
      tpu.yield
    }) : () -> ()
    "tpu.region"() ({
      %run_scoped3A = tpu.sem_alloc : memref<!tpu.dma_semaphore, #tpu.memory_space<semaphore_mem>>
      %dma_start3A_136 = arith.constant 0 : i32
      %dma_start3A_137 = arith.constant 0 : i32
      %dma_start3A_138 = tpu.memref_slice %arg4[%arg0, %arg1, %dma_start3A_136, %dma_start3A_137] : memref<2x16x160x64xi32, #tpu.memory_space<hbm>> -> memref<1x1x40x64xi32, #tpu.memory_space<hbm>>
      %dma_start3A_139 = tpu.memref_squeeze %dma_start3A_138 : memref<1x1x40x64xi32, #tpu.memory_space<hbm>> -> memref<40x64xi32, #tpu.memory_space<hbm>>
      %dma_start3A_140 = arith.constant 0 : i32
      %dma_start3A_141 = arith.constant 0 : i32
      %dma_start3A_142 = tpu.memref_slice %arg4[%arg0, %arg1, %dma_start3A_140, %dma_start3A_141] : memref<2x16x160x64xi32, #tpu.memory_space<hbm>> -> memref<1x1x40x64xi32, #tpu.memory_space<hbm>>
      %dma_start3A_143 = tpu.memref_squeeze %dma_start3A_142 : memref<1x1x40x64xi32, #tpu.memory_space<hbm>> -> memref<40x64xi32, #tpu.memory_space<hbm>>
      tpu.enqueue_dma source(%dma_start3A_143 : memref<40x64xi32, #tpu.memory_space<hbm>>) target(%arg8 : memref<40x64xi32, #tpu.memory_space<vmem>>) target_semaphore(%run_scoped3A : memref<!tpu.dma_semaphore, #tpu.memory_space<semaphore_mem>>)
      %dma_wait3A = arith.constant 0 : i32
      %dma_wait3A_144 = arith.constant 0 : i32
      %dma_wait3A_145 = tpu.memref_slice %arg4[%arg0, %arg1, %dma_wait3A, %dma_wait3A_144] : memref<2x16x160x64xi32, #tpu.memory_space<hbm>> -> memref<1x1x40x64xi32, #tpu.memory_space<hbm>>
      %dma_wait3A_146 = tpu.memref_squeeze %dma_wait3A_145 : memref<1x1x40x64xi32, #tpu.memory_space<hbm>> -> memref<40x64xi32, #tpu.memory_space<hbm>>
      %dma_wait3A_147 = arith.constant 0 : i32
      %dma_wait3A_148 = arith.constant 0 : i32
      %dma_wait3A_149 = tpu.memref_slice %arg4[%arg0, %arg1, %dma_wait3A_147, %dma_wait3A_148] : memref<2x16x160x64xi32, #tpu.memory_space<hbm>> -> memref<1x1x40x64xi32, #tpu.memory_space<hbm>>
      %dma_wait3A_150 = tpu.memref_squeeze %dma_wait3A_149 : memref<1x1x40x64xi32, #tpu.memory_space<hbm>> -> memref<40x64xi32, #tpu.memory_space<hbm>>
      tpu.wait_dma2 semaphore(%run_scoped3A : memref<!tpu.dma_semaphore, #tpu.memory_space<semaphore_mem>>) src(%dma_wait3A_150 : memref<40x64xi32, #tpu.memory_space<hbm>>) dst(%arg8 : memref<40x64xi32, #tpu.memory_space<vmem>>)
      tpu.yield
    }) : () -> ()
    %dma_start3A = arith.constant 0 : i32
    %dma_start3A_1 = arith.constant 0 : i32
    %dma_start3A_2 = tpu.memref_slice %arg7[%dma_start3A, %dma_start3A_1] : memref<40x64xi32, #tpu.memory_space<vmem>> -> memref<1x64xi32, #tpu.memory_space<vmem>>
    %dma_start3A_3 = tpu.memref_squeeze %dma_start3A_2 : memref<1x64xi32, #tpu.memory_space<vmem>> -> memref<64xi32, #tpu.memory_space<vmem>>
    %dma_start3A_4 = arith.constant 0 : i32
    %dma_start3A_5 = arith.constant 0 : i32
    %dma_start3A_6 = tpu.memref_slice %arg2[%dma_start3A_4, %dma_start3A_5] : memref<10000x128xf32, #tpu.memory_space<hbm>> -> memref<10000x128xf32, #tpu.memory_space<hbm>>
    tpu.enqueue_indirect_dma source(%dma_start3A_6 : memref<10000x128xf32, #tpu.memory_space<hbm>>) target(%arg9 : memref<64x128xf32, #tpu.memory_space<vmem>>) offsets(%dma_start3A_3 : memref<64xi32, #tpu.memory_space<vmem>>) semaphore(%arg13 : memref<!tpu.dma_semaphore, #tpu.memory_space<semaphore_mem>>)
    %dma_start3A_7 = arith.constant 1 : i32
    %dma_start3A_8 = arith.constant 0 : i32
    %dma_start3A_9 = tpu.memref_slice %arg7[%dma_start3A_7, %dma_start3A_8] : memref<40x64xi32, #tpu.memory_space<vmem>> -> memref<1x64xi32, #tpu.memory_space<vmem>>
    %dma_start3A_10 = tpu.memref_squeeze %dma_start3A_9 : memref<1x64xi32, #tpu.memory_space<vmem>> -> memref<64xi32, #tpu.memory_space<vmem>>
    %dma_start3A_11 = arith.constant 0 : i32
    %dma_start3A_12 = arith.constant 0 : i32
    %dma_start3A_13 = tpu.memref_slice %arg2[%dma_start3A_11, %dma_start3A_12] : memref<10000x128xf32, #tpu.memory_space<hbm>> -> memref<10000x128xf32, #tpu.memory_space<hbm>>
    tpu.enqueue_indirect_dma source(%dma_start3A_13 : memref<10000x128xf32, #tpu.memory_space<hbm>>) target(%arg10 : memref<64x128xf32, #tpu.memory_space<vmem>>) offsets(%dma_start3A_10 : memref<64xi32, #tpu.memory_space<vmem>>) semaphore(%arg14 : memref<!tpu.dma_semaphore, #tpu.memory_space<semaphore_mem>>)
    %dma_start3A_14 = arith.constant 2 : i32
    %dma_start3A_15 = arith.constant 0 : i32
    %dma_start3A_16 = tpu.memref_slice %arg7[%dma_start3A_14, %dma_start3A_15] : memref<40x64xi32, #tpu.memory_space<vmem>> -> memref<1x64xi32, #tpu.memory_space<vmem>>
    %dma_start3A_17 = tpu.memref_squeeze %dma_start3A_16 : memref<1x64xi32, #tpu.memory_space<vmem>> -> memref<64xi32, #tpu.memory_space<vmem>>
    %dma_start3A_18 = arith.constant 0 : i32
    %dma_start3A_19 = arith.constant 0 : i32
    %dma_start3A_20 = tpu.memref_slice %arg2[%dma_start3A_18, %dma_start3A_19] : memref<10000x128xf32, #tpu.memory_space<hbm>> -> memref<10000x128xf32, #tpu.memory_space<hbm>>
    tpu.enqueue_indirect_dma source(%dma_start3A_20 : memref<10000x128xf32, #tpu.memory_space<hbm>>) target(%arg11 : memref<64x128xf32, #tpu.memory_space<vmem>>) offsets(%dma_start3A_17 : memref<64xi32, #tpu.memory_space<vmem>>) semaphore(%arg15 : memref<!tpu.dma_semaphore, #tpu.memory_space<semaphore_mem>>)
    %dma_start3A_21 = arith.constant 3 : i32
    %dma_start3A_22 = arith.constant 0 : i32
    %dma_start3A_23 = tpu.memref_slice %arg7[%dma_start3A_21, %dma_start3A_22] : memref<40x64xi32, #tpu.memory_space<vmem>> -> memref<1x64xi32, #tpu.memory_space<vmem>>
    %dma_start3A_24 = tpu.memref_squeeze %dma_start3A_23 : memref<1x64xi32, #tpu.memory_space<vmem>> -> memref<64xi32, #tpu.memory_space<vmem>>
    %dma_start3A_25 = arith.constant 0 : i32
    %dma_start3A_26 = arith.constant 0 : i32
    %dma_start3A_27 = tpu.memref_slice %arg2[%dma_start3A_25, %dma_start3A_26] : memref<10000x128xf32, #tpu.memory_space<hbm>> -> memref<10000x128xf32, #tpu.memory_space<hbm>>
    tpu.enqueue_indirect_dma source(%dma_start3A_27 : memref<10000x128xf32, #tpu.memory_space<hbm>>) target(%arg12 : memref<64x128xf32, #tpu.memory_space<vmem>>) offsets(%dma_start3A_24 : memref<64xi32, #tpu.memory_space<vmem>>) semaphore(%arg16 : memref<!tpu.dma_semaphore, #tpu.memory_space<semaphore_mem>>)
    %scan3A = arith.constant 0 : i32
    %scan3A_28 = arith.constant 0 : i32
    %scan3A_29 = arith.constant 10 : i32
    %scan3A_30 = arith.addi %scan3A_28, %scan3A_29 : i32
    %scan3A_31 = arith.constant 1 : i32
    scf.for %scan3A_136 = %scan3A_28 to %scan3A_30 step %scan3A_31  : i32 {
      %mul3A_137 = arith.constant 4 : i32
      %mul3A_138 = arith.muli %scan3A_136, %mul3A_137 : i32
      %add3A = arith.constant 0 : i32
      %add3A_139 = arith.addi %mul3A_138, %add3A : i32
      %dma_wait3A = arith.constant 0 : i32
      %dma_wait3A_140 = arith.constant 0 : i32
      %dma_wait3A_141 = tpu.memref_slice %arg5[%dma_wait3A, %dma_wait3A_140] : memref<10112x128xf32, #tpu.memory_space<hbm>> -> memref<64x128xf32, #tpu.memory_space<hbm>>
      %dma_wait3A_142 = arith.constant 0 : i32
      %dma_wait3A_143 = arith.constant 0 : i32
      %dma_wait3A_144 = tpu.memref_slice %arg5[%dma_wait3A_142, %dma_wait3A_143] : memref<10112x128xf32, #tpu.memory_space<hbm>> -> memref<64x128xf32, #tpu.memory_space<hbm>>
      tpu.wait_dma2 semaphore(%arg13 : memref<!tpu.dma_semaphore, #tpu.memory_space<semaphore_mem>>) src(%dma_wait3A_144 : memref<64x128xf32, #tpu.memory_space<hbm>>) dst(%arg9 : memref<64x128xf32, #tpu.memory_space<vmem>>)
      "tpu.region"() ({
        %run_scoped3A = tpu.sem_alloc : memref<!tpu.dma_semaphore, #tpu.memory_space<semaphore_mem>>
        %dma_start3A_200 = arith.constant 0 : i32
        %dma_start3A_201 = tpu.memref_slice %arg8[%add3A_139, %dma_start3A_200] : memref<40x64xi32, #tpu.memory_space<vmem>> -> memref<1x64xi32, #tpu.memory_space<vmem>>
        %dma_start3A_202 = tpu.memref_squeeze %dma_start3A_201 : memref<1x64xi32, #tpu.memory_space<vmem>> -> memref<64xi32, #tpu.memory_space<vmem>>
        %dma_start3A_203 = arith.constant 0 : i32
        %dma_start3A_204 = arith.constant 0 : i32
        %dma_start3A_205 = tpu.memref_slice %arg17[%dma_start3A_203, %dma_start3A_204] : memref<10112x128xf32, #tpu.memory_space<vmem_shared>> -> memref<10112x128xf32, #tpu.memory_space<vmem_shared>>
        tpu.enqueue_indirect_dma source(%arg9 : memref<64x128xf32, #tpu.memory_space<vmem>>) target(%dma_start3A_205 : memref<10112x128xf32, #tpu.memory_space<vmem_shared>>) offsets(%dma_start3A_202 : memref<64xi32, #tpu.memory_space<vmem>>) semaphore(%run_scoped3A : memref<!tpu.dma_semaphore, #tpu.memory_space<semaphore_mem>>) {add = true}
        %dma_wait3A_206 = arith.constant 0 : i32
        %dma_wait3A_207 = tpu.memref_slice %arg8[%add3A_139, %dma_wait3A_206] : memref<40x64xi32, #tpu.memory_space<vmem>> -> memref<1x64xi32, #tpu.memory_space<vmem>>
        %dma_wait3A_208 = tpu.memref_squeeze %dma_wait3A_207 : memref<1x64xi32, #tpu.memory_space<vmem>> -> memref<64xi32, #tpu.memory_space<vmem>>
        %dma_wait3A_209 = arith.constant 0 : i32
        %dma_wait3A_210 = arith.constant 0 : i32
        %dma_wait3A_211 = tpu.memref_slice %arg17[%dma_wait3A_209, %dma_wait3A_210] : memref<10112x128xf32, #tpu.memory_space<vmem_shared>> -> memref<10112x128xf32, #tpu.memory_space<vmem_shared>>
        tpu.wait_indirect_dma semaphore(%run_scoped3A : memref<!tpu.dma_semaphore, #tpu.memory_space<semaphore_mem>>) src(%arg9 : memref<64x128xf32, #tpu.memory_space<vmem>>) dst(%dma_wait3A_211 : memref<10112x128xf32, #tpu.memory_space<vmem_shared>>)
        tpu.yield
      }) : () -> ()
      %add3A_145 = arith.constant 4 : i32
      %add3A_146 = arith.addi %add3A_139, %add3A_145 : i32
      %lt3A = arith.constant 40 : i32
      %lt3A_147 = arith.cmpi slt, %add3A_146, %lt3A : i32
      %convert_element_type3A = arith.extui %lt3A_147 : i1 to i32
      %cond3A = arith.constant 0 : i32
      %cond3A_148 = arith.cmpi ne, %convert_element_type3A, %cond3A : i32
      scf.if %cond3A_148 {
        %add3A_200 = arith.constant 4 : i32
        %add3A_201 = arith.addi %add3A_139, %add3A_200 : i32
        %dma_start3A_202 = arith.constant 0 : i32
        %dma_start3A_203 = tpu.memref_slice %arg7[%add3A_201, %dma_start3A_202] : memref<40x64xi32, #tpu.memory_space<vmem>> -> memref<1x64xi32, #tpu.memory_space<vmem>>
        %dma_start3A_204 = tpu.memref_squeeze %dma_start3A_203 : memref<1x64xi32, #tpu.memory_space<vmem>> -> memref<64xi32, #tpu.memory_space<vmem>>
        %dma_start3A_205 = arith.constant 0 : i32
        %dma_start3A_206 = arith.constant 0 : i32
        %dma_start3A_207 = tpu.memref_slice %arg2[%dma_start3A_205, %dma_start3A_206] : memref<10000x128xf32, #tpu.memory_space<hbm>> -> memref<10000x128xf32, #tpu.memory_space<hbm>>
        tpu.enqueue_indirect_dma source(%dma_start3A_207 : memref<10000x128xf32, #tpu.memory_space<hbm>>) target(%arg9 : memref<64x128xf32, #tpu.memory_space<vmem>>) offsets(%dma_start3A_204 : memref<64xi32, #tpu.memory_space<vmem>>) semaphore(%arg13 : memref<!tpu.dma_semaphore, #tpu.memory_space<semaphore_mem>>)
      } else {
      }
      %mul3A_149 = arith.constant 4 : i32
      %mul3A_150 = arith.muli %scan3A_136, %mul3A_149 : i32
      %add3A_151 = arith.constant 1 : i32
      %add3A_152 = arith.addi %mul3A_150, %add3A_151 : i32
      %dma_wait3A_153 = arith.constant 0 : i32
      %dma_wait3A_154 = arith.constant 0 : i32
      %dma_wait3A_155 = tpu.memref_slice %arg5[%dma_wait3A_153, %dma_wait3A_154] : memref<10112x128xf32, #tpu.memory_space<hbm>> -> memref<64x128xf32, #tpu.memory_space<hbm>>
      %dma_wait3A_156 = arith.constant 0 : i32
      %dma_wait3A_157 = arith.constant 0 : i32
      %dma_wait3A_158 = tpu.memref_slice %arg5[%dma_wait3A_156, %dma_wait3A_157] : memref<10112x128xf32, #tpu.memory_space<hbm>> -> memref<64x128xf32, #tpu.memory_space<hbm>>
      tpu.wait_dma2 semaphore(%arg14 : memref<!tpu.dma_semaphore, #tpu.memory_space<semaphore_mem>>) src(%dma_wait3A_158 : memref<64x128xf32, #tpu.memory_space<hbm>>) dst(%arg10 : memref<64x128xf32, #tpu.memory_space<vmem>>)
      "tpu.region"() ({
        %run_scoped3A = tpu.sem_alloc : memref<!tpu.dma_semaphore, #tpu.memory_space<semaphore_mem>>
        %dma_start3A_200 = arith.constant 0 : i32
        %dma_start3A_201 = tpu.memref_slice %arg8[%add3A_152, %dma_start3A_200] : memref<40x64xi32, #tpu.memory_space<vmem>> -> memref<1x64xi32, #tpu.memory_space<vmem>>
        %dma_start3A_202 = tpu.memref_squeeze %dma_start3A_201 : memref<1x64xi32, #tpu.memory_space<vmem>> -> memref<64xi32, #tpu.memory_space<vmem>>
        %dma_start3A_203 = arith.constant 0 : i32
        %dma_start3A_204 = arith.constant 0 : i32
        %dma_start3A_205 = tpu.memref_slice %arg17[%dma_start3A_203, %dma_start3A_204] : memref<10112x128xf32, #tpu.memory_space<vmem_shared>> -> memref<10112x128xf32, #tpu.memory_space<vmem_shared>>
        tpu.enqueue_indirect_dma source(%arg10 : memref<64x128xf32, #tpu.memory_space<vmem>>) target(%dma_start3A_205 : memref<10112x128xf32, #tpu.memory_space<vmem_shared>>) offsets(%dma_start3A_202 : memref<64xi32, #tpu.memory_space<vmem>>) semaphore(%run_scoped3A : memref<!tpu.dma_semaphore, #tpu.memory_space<semaphore_mem>>) {add = true}
        %dma_wait3A_206 = arith.constant 0 : i32
        %dma_wait3A_207 = tpu.memref_slice %arg8[%add3A_152, %dma_wait3A_206] : memref<40x64xi32, #tpu.memory_space<vmem>> -> memref<1x64xi32, #tpu.memory_space<vmem>>
        %dma_wait3A_208 = tpu.memref_squeeze %dma_wait3A_207 : memref<1x64xi32, #tpu.memory_space<vmem>> -> memref<64xi32, #tpu.memory_space<vmem>>
        %dma_wait3A_209 = arith.constant 0 : i32
        %dma_wait3A_210 = arith.constant 0 : i32
        %dma_wait3A_211 = tpu.memref_slice %arg17[%dma_wait3A_209, %dma_wait3A_210] : memref<10112x128xf32, #tpu.memory_space<vmem_shared>> -> memref<10112x128xf32, #tpu.memory_space<vmem_shared>>
        tpu.wait_indirect_dma semaphore(%run_scoped3A : memref<!tpu.dma_semaphore, #tpu.memory_space<semaphore_mem>>) src(%arg10 : memref<64x128xf32, #tpu.memory_space<vmem>>) dst(%dma_wait3A_211 : memref<10112x128xf32, #tpu.memory_space<vmem_shared>>)
        tpu.yield
      }) : () -> ()
      %add3A_159 = arith.constant 4 : i32
      %add3A_160 = arith.addi %add3A_152, %add3A_159 : i32
      %lt3A_161 = arith.constant 40 : i32
      %lt3A_162 = arith.cmpi slt, %add3A_160, %lt3A_161 : i32
      %convert_element_type3A_163 = arith.extui %lt3A_162 : i1 to i32
      %cond3A_164 = arith.constant 0 : i32
      %cond3A_165 = arith.cmpi ne, %convert_element_type3A_163, %cond3A_164 : i32
      scf.if %cond3A_165 {
        %add3A_200 = arith.constant 4 : i32
        %add3A_201 = arith.addi %add3A_152, %add3A_200 : i32
        %dma_start3A_202 = arith.constant 0 : i32
        %dma_start3A_203 = tpu.memref_slice %arg7[%add3A_201, %dma_start3A_202] : memref<40x64xi32, #tpu.memory_space<vmem>> -> memref<1x64xi32, #tpu.memory_space<vmem>>
        %dma_start3A_204 = tpu.memref_squeeze %dma_start3A_203 : memref<1x64xi32, #tpu.memory_space<vmem>> -> memref<64xi32, #tpu.memory_space<vmem>>
        %dma_start3A_205 = arith.constant 0 : i32
        %dma_start3A_206 = arith.constant 0 : i32
        %dma_start3A_207 = tpu.memref_slice %arg2[%dma_start3A_205, %dma_start3A_206] : memref<10000x128xf32, #tpu.memory_space<hbm>> -> memref<10000x128xf32, #tpu.memory_space<hbm>>
        tpu.enqueue_indirect_dma source(%dma_start3A_207 : memref<10000x128xf32, #tpu.memory_space<hbm>>) target(%arg10 : memref<64x128xf32, #tpu.memory_space<vmem>>) offsets(%dma_start3A_204 : memref<64xi32, #tpu.memory_space<vmem>>) semaphore(%arg14 : memref<!tpu.dma_semaphore, #tpu.memory_space<semaphore_mem>>)
      } else {
      }
      %mul3A_166 = arith.constant 4 : i32
      %mul3A_167 = arith.muli %scan3A_136, %mul3A_166 : i32
      %add3A_168 = arith.constant 2 : i32
      %add3A_169 = arith.addi %mul3A_167, %add3A_168 : i32
      %dma_wait3A_170 = arith.constant 0 : i32
      %dma_wait3A_171 = arith.constant 0 : i32
      %dma_wait3A_172 = tpu.memref_slice %arg5[%dma_wait3A_170, %dma_wait3A_171] : memref<10112x128xf32, #tpu.memory_space<hbm>> -> memref<64x128xf32, #tpu.memory_space<hbm>>
      %dma_wait3A_173 = arith.constant 0 : i32
      %dma_wait3A_174 = arith.constant 0 : i32
      %dma_wait3A_175 = tpu.memref_slice %arg5[%dma_wait3A_173, %dma_wait3A_174] : memref<10112x128xf32, #tpu.memory_space<hbm>> -> memref<64x128xf32, #tpu.memory_space<hbm>>
      tpu.wait_dma2 semaphore(%arg15 : memref<!tpu.dma_semaphore, #tpu.memory_space<semaphore_mem>>) src(%dma_wait3A_175 : memref<64x128xf32, #tpu.memory_space<hbm>>) dst(%arg11 : memref<64x128xf32, #tpu.memory_space<vmem>>)
      "tpu.region"() ({
        %run_scoped3A = tpu.sem_alloc : memref<!tpu.dma_semaphore, #tpu.memory_space<semaphore_mem>>
        %dma_start3A_200 = arith.constant 0 : i32
        %dma_start3A_201 = tpu.memref_slice %arg8[%add3A_169, %dma_start3A_200] : memref<40x64xi32, #tpu.memory_space<vmem>> -> memref<1x64xi32, #tpu.memory_space<vmem>>
        %dma_start3A_202 = tpu.memref_squeeze %dma_start3A_201 : memref<1x64xi32, #tpu.memory_space<vmem>> -> memref<64xi32, #tpu.memory_space<vmem>>
        %dma_start3A_203 = arith.constant 0 : i32
        %dma_start3A_204 = arith.constant 0 : i32
        %dma_start3A_205 = tpu.memref_slice %arg17[%dma_start3A_203, %dma_start3A_204] : memref<10112x128xf32, #tpu.memory_space<vmem_shared>> -> memref<10112x128xf32, #tpu.memory_space<vmem_shared>>
        tpu.enqueue_indirect_dma source(%arg11 : memref<64x128xf32, #tpu.memory_space<vmem>>) target(%dma_start3A_205 : memref<10112x128xf32, #tpu.memory_space<vmem_shared>>) offsets(%dma_start3A_202 : memref<64xi32, #tpu.memory_space<vmem>>) semaphore(%run_scoped3A : memref<!tpu.dma_semaphore, #tpu.memory_space<semaphore_mem>>) {add = true}
        %dma_wait3A_206 = arith.constant 0 : i32
        %dma_wait3A_207 = tpu.memref_slice %arg8[%add3A_169, %dma_wait3A_206] : memref<40x64xi32, #tpu.memory_space<vmem>> -> memref<1x64xi32, #tpu.memory_space<vmem>>
        %dma_wait3A_208 = tpu.memref_squeeze %dma_wait3A_207 : memref<1x64xi32, #tpu.memory_space<vmem>> -> memref<64xi32, #tpu.memory_space<vmem>>
        %dma_wait3A_209 = arith.constant 0 : i32
        %dma_wait3A_210 = arith.constant 0 : i32
        %dma_wait3A_211 = tpu.memref_slice %arg17[%dma_wait3A_209, %dma_wait3A_210] : memref<10112x128xf32, #tpu.memory_space<vmem_shared>> -> memref<10112x128xf32, #tpu.memory_space<vmem_shared>>
        tpu.wait_indirect_dma semaphore(%run_scoped3A : memref<!tpu.dma_semaphore, #tpu.memory_space<semaphore_mem>>) src(%arg11 : memref<64x128xf32, #tpu.memory_space<vmem>>) dst(%dma_wait3A_211 : memref<10112x128xf32, #tpu.memory_space<vmem_shared>>)
        tpu.yield
      }) : () -> ()
      %add3A_176 = arith.constant 4 : i32
      %add3A_177 = arith.addi %add3A_169, %add3A_176 : i32
      %lt3A_178 = arith.constant 40 : i32
      %lt3A_179 = arith.cmpi slt, %add3A_177, %lt3A_178 : i32
      %convert_element_type3A_180 = arith.extui %lt3A_179 : i1 to i32
      %cond3A_181 = arith.constant 0 : i32
      %cond3A_182 = arith.cmpi ne, %convert_element_type3A_180, %cond3A_181 : i32
      scf.if %cond3A_182 {
        %add3A_200 = arith.constant 4 : i32
        %add3A_201 = arith.addi %add3A_169, %add3A_200 : i32
        %dma_start3A_202 = arith.constant 0 : i32
        %dma_start3A_203 = tpu.memref_slice %arg7[%add3A_201, %dma_start3A_202] : memref<40x64xi32, #tpu.memory_space<vmem>> -> memref<1x64xi32, #tpu.memory_space<vmem>>
        %dma_start3A_204 = tpu.memref_squeeze %dma_start3A_203 : memref<1x64xi32, #tpu.memory_space<vmem>> -> memref<64xi32, #tpu.memory_space<vmem>>
        %dma_start3A_205 = arith.constant 0 : i32
        %dma_start3A_206 = arith.constant 0 : i32
        %dma_start3A_207 = tpu.memref_slice %arg2[%dma_start3A_205, %dma_start3A_206] : memref<10000x128xf32, #tpu.memory_space<hbm>> -> memref<10000x128xf32, #tpu.memory_space<hbm>>
        tpu.enqueue_indirect_dma source(%dma_start3A_207 : memref<10000x128xf32, #tpu.memory_space<hbm>>) target(%arg11 : memref<64x128xf32, #tpu.memory_space<vmem>>) offsets(%dma_start3A_204 : memref<64xi32, #tpu.memory_space<vmem>>) semaphore(%arg15 : memref<!tpu.dma_semaphore, #tpu.memory_space<semaphore_mem>>)
      } else {
      }
      %mul3A_183 = arith.constant 4 : i32
      %mul3A_184 = arith.muli %scan3A_136, %mul3A_183 : i32
      %add3A_185 = arith.constant 3 : i32
      %add3A_186 = arith.addi %mul3A_184, %add3A_185 : i32
      %dma_wait3A_187 = arith.constant 0 : i32
      %dma_wait3A_188 = arith.constant 0 : i32
      %dma_wait3A_189 = tpu.memref_slice %arg5[%dma_wait3A_187, %dma_wait3A_188] : memref<10112x128xf32, #tpu.memory_space<hbm>> -> memref<64x128xf32, #tpu.memory_space<hbm>>
      %dma_wait3A_190 = arith.constant 0 : i32
      %dma_wait3A_191 = arith.constant 0 : i32
      %dma_wait3A_192 = tpu.memref_slice %arg5[%dma_wait3A_190, %dma_wait3A_191] : memref<10112x128xf32, #tpu.memory_space<hbm>> -> memref<64x128xf32, #tpu.memory_space<hbm>>
      tpu.wait_dma2 semaphore(%arg16 : memref<!tpu.dma_semaphore, #tpu.memory_space<semaphore_mem>>) src(%dma_wait3A_192 : memref<64x128xf32, #tpu.memory_space<hbm>>) dst(%arg12 : memref<64x128xf32, #tpu.memory_space<vmem>>)
      "tpu.region"() ({
        %run_scoped3A = tpu.sem_alloc : memref<!tpu.dma_semaphore, #tpu.memory_space<semaphore_mem>>
        %dma_start3A_200 = arith.constant 0 : i32
        %dma_start3A_201 = tpu.memref_slice %arg8[%add3A_186, %dma_start3A_200] : memref<40x64xi32, #tpu.memory_space<vmem>> -> memref<1x64xi32, #tpu.memory_space<vmem>>
        %dma_start3A_202 = tpu.memref_squeeze %dma_start3A_201 : memref<1x64xi32, #tpu.memory_space<vmem>> -> memref<64xi32, #tpu.memory_space<vmem>>
        %dma_start3A_203 = arith.constant 0 : i32
        %dma_start3A_204 = arith.constant 0 : i32
        %dma_start3A_205 = tpu.memref_slice %arg17[%dma_start3A_203, %dma_start3A_204] : memref<10112x128xf32, #tpu.memory_space<vmem_shared>> -> memref<10112x128xf32, #tpu.memory_space<vmem_shared>>
        tpu.enqueue_indirect_dma source(%arg12 : memref<64x128xf32, #tpu.memory_space<vmem>>) target(%dma_start3A_205 : memref<10112x128xf32, #tpu.memory_space<vmem_shared>>) offsets(%dma_start3A_202 : memref<64xi32, #tpu.memory_space<vmem>>) semaphore(%run_scoped3A : memref<!tpu.dma_semaphore, #tpu.memory_space<semaphore_mem>>) {add = true}
        %dma_wait3A_206 = arith.constant 0 : i32
        %dma_wait3A_207 = tpu.memref_slice %arg8[%add3A_186, %dma_wait3A_206] : memref<40x64xi32, #tpu.memory_space<vmem>> -> memref<1x64xi32, #tpu.memory_space<vmem>>
        %dma_wait3A_208 = tpu.memref_squeeze %dma_wait3A_207 : memref<1x64xi32, #tpu.memory_space<vmem>> -> memref<64xi32, #tpu.memory_space<vmem>>
        %dma_wait3A_209 = arith.constant 0 : i32
        %dma_wait3A_210 = arith.constant 0 : i32
        %dma_wait3A_211 = tpu.memref_slice %arg17[%dma_wait3A_209, %dma_wait3A_210] : memref<10112x128xf32, #tpu.memory_space<vmem_shared>> -> memref<10112x128xf32, #tpu.memory_space<vmem_shared>>
        tpu.wait_indirect_dma semaphore(%run_scoped3A : memref<!tpu.dma_semaphore, #tpu.memory_space<semaphore_mem>>) src(%arg12 : memref<64x128xf32, #tpu.memory_space<vmem>>) dst(%dma_wait3A_211 : memref<10112x128xf32, #tpu.memory_space<vmem_shared>>)
        tpu.yield
      }) : () -> ()
      %add3A_193 = arith.constant 4 : i32
      %add3A_194 = arith.addi %add3A_186, %add3A_193 : i32
      %lt3A_195 = arith.constant 40 : i32
      %lt3A_196 = arith.cmpi slt, %add3A_194, %lt3A_195 : i32
      %convert_element_type3A_197 = arith.extui %lt3A_196 : i1 to i32
      %cond3A_198 = arith.constant 0 : i32
      %cond3A_199 = arith.cmpi ne, %convert_element_type3A_197, %cond3A_198 : i32
      scf.if %cond3A_199 {
        %add3A_200 = arith.constant 4 : i32
        %add3A_201 = arith.addi %add3A_186, %add3A_200 : i32
        %dma_start3A_202 = arith.constant 0 : i32
        %dma_start3A_203 = tpu.memref_slice %arg7[%add3A_201, %dma_start3A_202] : memref<40x64xi32, #tpu.memory_space<vmem>> -> memref<1x64xi32, #tpu.memory_space<vmem>>
        %dma_start3A_204 = tpu.memref_squeeze %dma_start3A_203 : memref<1x64xi32, #tpu.memory_space<vmem>> -> memref<64xi32, #tpu.memory_space<vmem>>
        %dma_start3A_205 = arith.constant 0 : i32
        %dma_start3A_206 = arith.constant 0 : i32
        %dma_start3A_207 = tpu.memref_slice %arg2[%dma_start3A_205, %dma_start3A_206] : memref<10000x128xf32, #tpu.memory_space<hbm>> -> memref<10000x128xf32, #tpu.memory_space<hbm>>
        tpu.enqueue_indirect_dma source(%dma_start3A_207 : memref<10000x128xf32, #tpu.memory_space<hbm>>) target(%arg12 : memref<64x128xf32, #tpu.memory_space<vmem>>) offsets(%dma_start3A_204 : memref<64xi32, #tpu.memory_space<vmem>>) semaphore(%arg16 : memref<!tpu.dma_semaphore, #tpu.memory_space<semaphore_mem>>)
      } else {
      }
    }
    %scan3A_32 = arith.constant 10 : i32
    "tpu.region"() ({
      %run_scoped3A = tpu.sem_alloc : memref<!tpu.dma_semaphore, #tpu.memory_space<semaphore_mem>>
      %dma_start3A_136 = arith.constant 40 : i32
      %dma_start3A_137 = arith.constant 0 : i32
      %dma_start3A_138 = tpu.memref_slice %arg3[%arg0, %arg1, %dma_start3A_136, %dma_start3A_137] : memref<2x16x160x64xi32, #tpu.memory_space<hbm>> -> memref<1x1x40x64xi32, #tpu.memory_space<hbm>>
      %dma_start3A_139 = tpu.memref_squeeze %dma_start3A_138 : memref<1x1x40x64xi32, #tpu.memory_space<hbm>> -> memref<40x64xi32, #tpu.memory_space<hbm>>
      %dma_start3A_140 = arith.constant 40 : i32
      %dma_start3A_141 = arith.constant 0 : i32
      %dma_start3A_142 = tpu.memref_slice %arg3[%arg0, %arg1, %dma_start3A_140, %dma_start3A_141] : memref<2x16x160x64xi32, #tpu.memory_space<hbm>> -> memref<1x1x40x64xi32, #tpu.memory_space<hbm>>
      %dma_start3A_143 = tpu.memref_squeeze %dma_start3A_142 : memref<1x1x40x64xi32, #tpu.memory_space<hbm>> -> memref<40x64xi32, #tpu.memory_space<hbm>>
      tpu.enqueue_dma source(%dma_start3A_143 : memref<40x64xi32, #tpu.memory_space<hbm>>) target(%arg7 : memref<40x64xi32, #tpu.memory_space<vmem>>) target_semaphore(%run_scoped3A : memref<!tpu.dma_semaphore, #tpu.memory_space<semaphore_mem>>)
      %dma_wait3A = arith.constant 40 : i32
      %dma_wait3A_144 = arith.constant 0 : i32
      %dma_wait3A_145 = tpu.memref_slice %arg3[%arg0, %arg1, %dma_wait3A, %dma_wait3A_144] : memref<2x16x160x64xi32, #tpu.memory_space<hbm>> -> memref<1x1x40x64xi32, #tpu.memory_space<hbm>>
      %dma_wait3A_146 = tpu.memref_squeeze %dma_wait3A_145 : memref<1x1x40x64xi32, #tpu.memory_space<hbm>> -> memref<40x64xi32, #tpu.memory_space<hbm>>
      %dma_wait3A_147 = arith.constant 40 : i32
      %dma_wait3A_148 = arith.constant 0 : i32
      %dma_wait3A_149 = tpu.memref_slice %arg3[%arg0, %arg1, %dma_wait3A_147, %dma_wait3A_148] : memref<2x16x160x64xi32, #tpu.memory_space<hbm>> -> memref<1x1x40x64xi32, #tpu.memory_space<hbm>>
      %dma_wait3A_150 = tpu.memref_squeeze %dma_wait3A_149 : memref<1x1x40x64xi32, #tpu.memory_space<hbm>> -> memref<40x64xi32, #tpu.memory_space<hbm>>
      tpu.wait_dma2 semaphore(%run_scoped3A : memref<!tpu.dma_semaphore, #tpu.memory_space<semaphore_mem>>) src(%dma_wait3A_150 : memref<40x64xi32, #tpu.memory_space<hbm>>) dst(%arg7 : memref<40x64xi32, #tpu.memory_space<vmem>>)
      tpu.yield
    }) : () -> ()
    "tpu.region"() ({
      %run_scoped3A = tpu.sem_alloc : memref<!tpu.dma_semaphore, #tpu.memory_space<semaphore_mem>>
      %dma_start3A_136 = arith.constant 40 : i32
      %dma_start3A_137 = arith.constant 0 : i32
      %dma_start3A_138 = tpu.memref_slice %arg4[%arg0, %arg1, %dma_start3A_136, %dma_start3A_137] : memref<2x16x160x64xi32, #tpu.memory_space<hbm>> -> memref<1x1x40x64xi32, #tpu.memory_space<hbm>>
      %dma_start3A_139 = tpu.memref_squeeze %dma_start3A_138 : memref<1x1x40x64xi32, #tpu.memory_space<hbm>> -> memref<40x64xi32, #tpu.memory_space<hbm>>
      %dma_start3A_140 = arith.constant 40 : i32
      %dma_start3A_141 = arith.constant 0 : i32
      %dma_start3A_142 = tpu.memref_slice %arg4[%arg0, %arg1, %dma_start3A_140, %dma_start3A_141] : memref<2x16x160x64xi32, #tpu.memory_space<hbm>> -> memref<1x1x40x64xi32, #tpu.memory_space<hbm>>
      %dma_start3A_143 = tpu.memref_squeeze %dma_start3A_142 : memref<1x1x40x64xi32, #tpu.memory_space<hbm>> -> memref<40x64xi32, #tpu.memory_space<hbm>>
      tpu.enqueue_dma source(%dma_start3A_143 : memref<40x64xi32, #tpu.memory_space<hbm>>) target(%arg8 : memref<40x64xi32, #tpu.memory_space<vmem>>) target_semaphore(%run_scoped3A : memref<!tpu.dma_semaphore, #tpu.memory_space<semaphore_mem>>)
      %dma_wait3A = arith.constant 40 : i32
      %dma_wait3A_144 = arith.constant 0 : i32
      %dma_wait3A_145 = tpu.memref_slice %arg4[%arg0, %arg1, %dma_wait3A, %dma_wait3A_144] : memref<2x16x160x64xi32, #tpu.memory_space<hbm>> -> memref<1x1x40x64xi32, #tpu.memory_space<hbm>>
      %dma_wait3A_146 = tpu.memref_squeeze %dma_wait3A_145 : memref<1x1x40x64xi32, #tpu.memory_space<hbm>> -> memref<40x64xi32, #tpu.memory_space<hbm>>
      %dma_wait3A_147 = arith.constant 40 : i32
      %dma_wait3A_148 = arith.constant 0 : i32
      %dma_wait3A_149 = tpu.memref_slice %arg4[%arg0, %arg1, %dma_wait3A_147, %dma_wait3A_148] : memref<2x16x160x64xi32, #tpu.memory_space<hbm>> -> memref<1x1x40x64xi32, #tpu.memory_space<hbm>>
      %dma_wait3A_150 = tpu.memref_squeeze %dma_wait3A_149 : memref<1x1x40x64xi32, #tpu.memory_space<hbm>> -> memref<40x64xi32, #tpu.memory_space<hbm>>
      tpu.wait_dma2 semaphore(%run_scoped3A : memref<!tpu.dma_semaphore, #tpu.memory_space<semaphore_mem>>) src(%dma_wait3A_150 : memref<40x64xi32, #tpu.memory_space<hbm>>) dst(%arg8 : memref<40x64xi32, #tpu.memory_space<vmem>>)
      tpu.yield
    }) : () -> ()
    %dma_start3A_33 = arith.constant 0 : i32
    %dma_start3A_34 = arith.constant 0 : i32
    %dma_start3A_35 = tpu.memref_slice %arg7[%dma_start3A_33, %dma_start3A_34] : memref<40x64xi32, #tpu.memory_space<vmem>> -> memref<1x64xi32, #tpu.memory_space<vmem>>
    %dma_start3A_36 = tpu.memref_squeeze %dma_start3A_35 : memref<1x64xi32, #tpu.memory_space<vmem>> -> memref<64xi32, #tpu.memory_space<vmem>>
    %dma_start3A_37 = arith.constant 0 : i32
    %dma_start3A_38 = arith.constant 0 : i32
    %dma_start3A_39 = tpu.memref_slice %arg2[%dma_start3A_37, %dma_start3A_38] : memref<10000x128xf32, #tpu.memory_space<hbm>> -> memref<10000x128xf32, #tpu.memory_space<hbm>>
    tpu.enqueue_indirect_dma source(%dma_start3A_39 : memref<10000x128xf32, #tpu.memory_space<hbm>>) target(%arg9 : memref<64x128xf32, #tpu.memory_space<vmem>>) offsets(%dma_start3A_36 : memref<64xi32, #tpu.memory_space<vmem>>) semaphore(%arg13 : memref<!tpu.dma_semaphore, #tpu.memory_space<semaphore_mem>>)
    %dma_start3A_40 = arith.constant 1 : i32
    %dma_start3A_41 = arith.constant 0 : i32
    %dma_start3A_42 = tpu.memref_slice %arg7[%dma_start3A_40, %dma_start3A_41] : memref<40x64xi32, #tpu.memory_space<vmem>> -> memref<1x64xi32, #tpu.memory_space<vmem>>
    %dma_start3A_43 = tpu.memref_squeeze %dma_start3A_42 : memref<1x64xi32, #tpu.memory_space<vmem>> -> memref<64xi32, #tpu.memory_space<vmem>>
    %dma_start3A_44 = arith.constant 0 : i32
    %dma_start3A_45 = arith.constant 0 : i32
    %dma_start3A_46 = tpu.memref_slice %arg2[%dma_start3A_44, %dma_start3A_45] : memref<10000x128xf32, #tpu.memory_space<hbm>> -> memref<10000x128xf32, #tpu.memory_space<hbm>>
    tpu.enqueue_indirect_dma source(%dma_start3A_46 : memref<10000x128xf32, #tpu.memory_space<hbm>>) target(%arg10 : memref<64x128xf32, #tpu.memory_space<vmem>>) offsets(%dma_start3A_43 : memref<64xi32, #tpu.memory_space<vmem>>) semaphore(%arg14 : memref<!tpu.dma_semaphore, #tpu.memory_space<semaphore_mem>>)
    %dma_start3A_47 = arith.constant 2 : i32
    %dma_start3A_48 = arith.constant 0 : i32
    %dma_start3A_49 = tpu.memref_slice %arg7[%dma_start3A_47, %dma_start3A_48] : memref<40x64xi32, #tpu.memory_space<vmem>> -> memref<1x64xi32, #tpu.memory_space<vmem>>
    %dma_start3A_50 = tpu.memref_squeeze %dma_start3A_49 : memref<1x64xi32, #tpu.memory_space<vmem>> -> memref<64xi32, #tpu.memory_space<vmem>>
    %dma_start3A_51 = arith.constant 0 : i32
    %dma_start3A_52 = arith.constant 0 : i32
    %dma_start3A_53 = tpu.memref_slice %arg2[%dma_start3A_51, %dma_start3A_52] : memref<10000x128xf32, #tpu.memory_space<hbm>> -> memref<10000x128xf32, #tpu.memory_space<hbm>>
    tpu.enqueue_indirect_dma source(%dma_start3A_53 : memref<10000x128xf32, #tpu.memory_space<hbm>>) target(%arg11 : memref<64x128xf32, #tpu.memory_space<vmem>>) offsets(%dma_start3A_50 : memref<64xi32, #tpu.memory_space<vmem>>) semaphore(%arg15 : memref<!tpu.dma_semaphore, #tpu.memory_space<semaphore_mem>>)
    %dma_start3A_54 = arith.constant 3 : i32
    %dma_start3A_55 = arith.constant 0 : i32
    %dma_start3A_56 = tpu.memref_slice %arg7[%dma_start3A_54, %dma_start3A_55] : memref<40x64xi32, #tpu.memory_space<vmem>> -> memref<1x64xi32, #tpu.memory_space<vmem>>
    %dma_start3A_57 = tpu.memref_squeeze %dma_start3A_56 : memref<1x64xi32, #tpu.memory_space<vmem>> -> memref<64xi32, #tpu.memory_space<vmem>>
    %dma_start3A_58 = arith.constant 0 : i32
    %dma_start3A_59 = arith.constant 0 : i32
    %dma_start3A_60 = tpu.memref_slice %arg2[%dma_start3A_58, %dma_start3A_59] : memref<10000x128xf32, #tpu.memory_space<hbm>> -> memref<10000x128xf32, #tpu.memory_space<hbm>>
    tpu.enqueue_indirect_dma source(%dma_start3A_60 : memref<10000x128xf32, #tpu.memory_space<hbm>>) target(%arg12 : memref<64x128xf32, #tpu.memory_space<vmem>>) offsets(%dma_start3A_57 : memref<64xi32, #tpu.memory_space<vmem>>) semaphore(%arg16 : memref<!tpu.dma_semaphore, #tpu.memory_space<semaphore_mem>>)
    %scan3A_61 = arith.constant 0 : i32
    %scan3A_62 = arith.constant 0 : i32
    %scan3A_63 = arith.constant 10 : i32
    %scan3A_64 = arith.addi %scan3A_62, %scan3A_63 : i32
    %scan3A_65 = arith.constant 1 : i32
    scf.for %scan3A_136 = %scan3A_62 to %scan3A_64 step %scan3A_65  : i32 {
      %mul3A_137 = arith.constant 4 : i32
      %mul3A_138 = arith.muli %scan3A_136, %mul3A_137 : i32
      %add3A = arith.constant 0 : i32
      %add3A_139 = arith.addi %mul3A_138, %add3A : i32
      %dma_wait3A = arith.constant 0 : i32
      %dma_wait3A_140 = arith.constant 0 : i32
      %dma_wait3A_141 = tpu.memref_slice %arg5[%dma_wait3A, %dma_wait3A_140] : memref<10112x128xf32, #tpu.memory_space<hbm>> -> memref<64x128xf32, #tpu.memory_space<hbm>>
      %dma_wait3A_142 = arith.constant 0 : i32
      %dma_wait3A_143 = arith.constant 0 : i32
      %dma_wait3A_144 = tpu.memref_slice %arg5[%dma_wait3A_142, %dma_wait3A_143] : memref<10112x128xf32, #tpu.memory_space<hbm>> -> memref<64x128xf32, #tpu.memory_space<hbm>>
      tpu.wait_dma2 semaphore(%arg13 : memref<!tpu.dma_semaphore, #tpu.memory_space<semaphore_mem>>) src(%dma_wait3A_144 : memref<64x128xf32, #tpu.memory_space<hbm>>) dst(%arg9 : memref<64x128xf32, #tpu.memory_space<vmem>>)
      "tpu.region"() ({
        %run_scoped3A = tpu.sem_alloc : memref<!tpu.dma_semaphore, #tpu.memory_space<semaphore_mem>>
        %dma_start3A_200 = arith.constant 0 : i32
        %dma_start3A_201 = tpu.memref_slice %arg8[%add3A_139, %dma_start3A_200] : memref<40x64xi32, #tpu.memory_space<vmem>> -> memref<1x64xi32, #tpu.memory_space<vmem>>
        %dma_start3A_202 = tpu.memref_squeeze %dma_start3A_201 : memref<1x64xi32, #tpu.memory_space<vmem>> -> memref<64xi32, #tpu.memory_space<vmem>>
        %dma_start3A_203 = arith.constant 0 : i32
        %dma_start3A_204 = arith.constant 0 : i32
        %dma_start3A_205 = tpu.memref_slice %arg17[%dma_start3A_203, %dma_start3A_204] : memref<10112x128xf32, #tpu.memory_space<vmem_shared>> -> memref<10112x128xf32, #tpu.memory_space<vmem_shared>>
        tpu.enqueue_indirect_dma source(%arg9 : memref<64x128xf32, #tpu.memory_space<vmem>>) target(%dma_start3A_205 : memref<10112x128xf32, #tpu.memory_space<vmem_shared>>) offsets(%dma_start3A_202 : memref<64xi32, #tpu.memory_space<vmem>>) semaphore(%run_scoped3A : memref<!tpu.dma_semaphore, #tpu.memory_space<semaphore_mem>>) {add = true}
        %dma_wait3A_206 = arith.constant 0 : i32
        %dma_wait3A_207 = tpu.memref_slice %arg8[%add3A_139, %dma_wait3A_206] : memref<40x64xi32, #tpu.memory_space<vmem>> -> memref<1x64xi32, #tpu.memory_space<vmem>>
        %dma_wait3A_208 = tpu.memref_squeeze %dma_wait3A_207 : memref<1x64xi32, #tpu.memory_space<vmem>> -> memref<64xi32, #tpu.memory_space<vmem>>
        %dma_wait3A_209 = arith.constant 0 : i32
        %dma_wait3A_210 = arith.constant 0 : i32
        %dma_wait3A_211 = tpu.memref_slice %arg17[%dma_wait3A_209, %dma_wait3A_210] : memref<10112x128xf32, #tpu.memory_space<vmem_shared>> -> memref<10112x128xf32, #tpu.memory_space<vmem_shared>>
        tpu.wait_indirect_dma semaphore(%run_scoped3A : memref<!tpu.dma_semaphore, #tpu.memory_space<semaphore_mem>>) src(%arg9 : memref<64x128xf32, #tpu.memory_space<vmem>>) dst(%dma_wait3A_211 : memref<10112x128xf32, #tpu.memory_space<vmem_shared>>)
        tpu.yield
      }) : () -> ()
      %add3A_145 = arith.constant 4 : i32
      %add3A_146 = arith.addi %add3A_139, %add3A_145 : i32
      %lt3A = arith.constant 40 : i32
      %lt3A_147 = arith.cmpi slt, %add3A_146, %lt3A : i32
      %convert_element_type3A = arith.extui %lt3A_147 : i1 to i32
      %cond3A = arith.constant 0 : i32
      %cond3A_148 = arith.cmpi ne, %convert_element_type3A, %cond3A : i32
      scf.if %cond3A_148 {
        %add3A_200 = arith.constant 4 : i32
        %add3A_201 = arith.addi %add3A_139, %add3A_200 : i32
        %dma_start3A_202 = arith.constant 0 : i32
        %dma_start3A_203 = tpu.memref_slice %arg7[%add3A_201, %dma_start3A_202] : memref<40x64xi32, #tpu.memory_space<vmem>> -> memref<1x64xi32, #tpu.memory_space<vmem>>
        %dma_start3A_204 = tpu.memref_squeeze %dma_start3A_203 : memref<1x64xi32, #tpu.memory_space<vmem>> -> memref<64xi32, #tpu.memory_space<vmem>>
        %dma_start3A_205 = arith.constant 0 : i32
        %dma_start3A_206 = arith.constant 0 : i32
        %dma_start3A_207 = tpu.memref_slice %arg2[%dma_start3A_205, %dma_start3A_206] : memref<10000x128xf32, #tpu.memory_space<hbm>> -> memref<10000x128xf32, #tpu.memory_space<hbm>>
        tpu.enqueue_indirect_dma source(%dma_start3A_207 : memref<10000x128xf32, #tpu.memory_space<hbm>>) target(%arg9 : memref<64x128xf32, #tpu.memory_space<vmem>>) offsets(%dma_start3A_204 : memref<64xi32, #tpu.memory_space<vmem>>) semaphore(%arg13 : memref<!tpu.dma_semaphore, #tpu.memory_space<semaphore_mem>>)
      } else {
      }
      %mul3A_149 = arith.constant 4 : i32
      %mul3A_150 = arith.muli %scan3A_136, %mul3A_149 : i32
      %add3A_151 = arith.constant 1 : i32
      %add3A_152 = arith.addi %mul3A_150, %add3A_151 : i32
      %dma_wait3A_153 = arith.constant 0 : i32
      %dma_wait3A_154 = arith.constant 0 : i32
      %dma_wait3A_155 = tpu.memref_slice %arg5[%dma_wait3A_153, %dma_wait3A_154] : memref<10112x128xf32, #tpu.memory_space<hbm>> -> memref<64x128xf32, #tpu.memory_space<hbm>>
      %dma_wait3A_156 = arith.constant 0 : i32
      %dma_wait3A_157 = arith.constant 0 : i32
      %dma_wait3A_158 = tpu.memref_slice %arg5[%dma_wait3A_156, %dma_wait3A_157] : memref<10112x128xf32, #tpu.memory_space<hbm>> -> memref<64x128xf32, #tpu.memory_space<hbm>>
      tpu.wait_dma2 semaphore(%arg14 : memref<!tpu.dma_semaphore, #tpu.memory_space<semaphore_mem>>) src(%dma_wait3A_158 : memref<64x128xf32, #tpu.memory_space<hbm>>) dst(%arg10 : memref<64x128xf32, #tpu.memory_space<vmem>>)
      "tpu.region"() ({
        %run_scoped3A = tpu.sem_alloc : memref<!tpu.dma_semaphore, #tpu.memory_space<semaphore_mem>>
        %dma_start3A_200 = arith.constant 0 : i32
        %dma_start3A_201 = tpu.memref_slice %arg8[%add3A_152, %dma_start3A_200] : memref<40x64xi32, #tpu.memory_space<vmem>> -> memref<1x64xi32, #tpu.memory_space<vmem>>
        %dma_start3A_202 = tpu.memref_squeeze %dma_start3A_201 : memref<1x64xi32, #tpu.memory_space<vmem>> -> memref<64xi32, #tpu.memory_space<vmem>>
        %dma_start3A_203 = arith.constant 0 : i32
        %dma_start3A_204 = arith.constant 0 : i32
        %dma_start3A_205 = tpu.memref_slice %arg17[%dma_start3A_203, %dma_start3A_204] : memref<10112x128xf32, #tpu.memory_space<vmem_shared>> -> memref<10112x128xf32, #tpu.memory_space<vmem_shared>>
        tpu.enqueue_indirect_dma source(%arg10 : memref<64x128xf32, #tpu.memory_space<vmem>>) target(%dma_start3A_205 : memref<10112x128xf32, #tpu.memory_space<vmem_shared>>) offsets(%dma_start3A_202 : memref<64xi32, #tpu.memory_space<vmem>>) semaphore(%run_scoped3A : memref<!tpu.dma_semaphore, #tpu.memory_space<semaphore_mem>>) {add = true}
        %dma_wait3A_206 = arith.constant 0 : i32
        %dma_wait3A_207 = tpu.memref_slice %arg8[%add3A_152, %dma_wait3A_206] : memref<40x64xi32, #tpu.memory_space<vmem>> -> memref<1x64xi32, #tpu.memory_space<vmem>>
        %dma_wait3A_208 = tpu.memref_squeeze %dma_wait3A_207 : memref<1x64xi32, #tpu.memory_space<vmem>> -> memref<64xi32, #tpu.memory_space<vmem>>
        %dma_wait3A_209 = arith.constant 0 : i32
        %dma_wait3A_210 = arith.constant 0 : i32
        %dma_wait3A_211 = tpu.memref_slice %arg17[%dma_wait3A_209, %dma_wait3A_210] : memref<10112x128xf32, #tpu.memory_space<vmem_shared>> -> memref<10112x128xf32, #tpu.memory_space<vmem_shared>>
        tpu.wait_indirect_dma semaphore(%run_scoped3A : memref<!tpu.dma_semaphore, #tpu.memory_space<semaphore_mem>>) src(%arg10 : memref<64x128xf32, #tpu.memory_space<vmem>>) dst(%dma_wait3A_211 : memref<10112x128xf32, #tpu.memory_space<vmem_shared>>)
        tpu.yield
      }) : () -> ()
      %add3A_159 = arith.constant 4 : i32
      %add3A_160 = arith.addi %add3A_152, %add3A_159 : i32
      %lt3A_161 = arith.constant 40 : i32
      %lt3A_162 = arith.cmpi slt, %add3A_160, %lt3A_161 : i32
      %convert_element_type3A_163 = arith.extui %lt3A_162 : i1 to i32
      %cond3A_164 = arith.constant 0 : i32
      %cond3A_165 = arith.cmpi ne, %convert_element_type3A_163, %cond3A_164 : i32
      scf.if %cond3A_165 {
        %add3A_200 = arith.constant 4 : i32
        %add3A_201 = arith.addi %add3A_152, %add3A_200 : i32
        %dma_start3A_202 = arith.constant 0 : i32
        %dma_start3A_203 = tpu.memref_slice %arg7[%add3A_201, %dma_start3A_202] : memref<40x64xi32, #tpu.memory_space<vmem>> -> memref<1x64xi32, #tpu.memory_space<vmem>>
        %dma_start3A_204 = tpu.memref_squeeze %dma_start3A_203 : memref<1x64xi32, #tpu.memory_space<vmem>> -> memref<64xi32, #tpu.memory_space<vmem>>
        %dma_start3A_205 = arith.constant 0 : i32
        %dma_start3A_206 = arith.constant 0 : i32
        %dma_start3A_207 = tpu.memref_slice %arg2[%dma_start3A_205, %dma_start3A_206] : memref<10000x128xf32, #tpu.memory_space<hbm>> -> memref<10000x128xf32, #tpu.memory_space<hbm>>
        tpu.enqueue_indirect_dma source(%dma_start3A_207 : memref<10000x128xf32, #tpu.memory_space<hbm>>) target(%arg10 : memref<64x128xf32, #tpu.memory_space<vmem>>) offsets(%dma_start3A_204 : memref<64xi32, #tpu.memory_space<vmem>>) semaphore(%arg14 : memref<!tpu.dma_semaphore, #tpu.memory_space<semaphore_mem>>)
      } else {
      }
      %mul3A_166 = arith.constant 4 : i32
      %mul3A_167 = arith.muli %scan3A_136, %mul3A_166 : i32
      %add3A_168 = arith.constant 2 : i32
      %add3A_169 = arith.addi %mul3A_167, %add3A_168 : i32
      %dma_wait3A_170 = arith.constant 0 : i32
      %dma_wait3A_171 = arith.constant 0 : i32
      %dma_wait3A_172 = tpu.memref_slice %arg5[%dma_wait3A_170, %dma_wait3A_171] : memref<10112x128xf32, #tpu.memory_space<hbm>> -> memref<64x128xf32, #tpu.memory_space<hbm>>
      %dma_wait3A_173 = arith.constant 0 : i32
      %dma_wait3A_174 = arith.constant 0 : i32
      %dma_wait3A_175 = tpu.memref_slice %arg5[%dma_wait3A_173, %dma_wait3A_174] : memref<10112x128xf32, #tpu.memory_space<hbm>> -> memref<64x128xf32, #tpu.memory_space<hbm>>
      tpu.wait_dma2 semaphore(%arg15 : memref<!tpu.dma_semaphore, #tpu.memory_space<semaphore_mem>>) src(%dma_wait3A_175 : memref<64x128xf32, #tpu.memory_space<hbm>>) dst(%arg11 : memref<64x128xf32, #tpu.memory_space<vmem>>)
      "tpu.region"() ({
        %run_scoped3A = tpu.sem_alloc : memref<!tpu.dma_semaphore, #tpu.memory_space<semaphore_mem>>
        %dma_start3A_200 = arith.constant 0 : i32
        %dma_start3A_201 = tpu.memref_slice %arg8[%add3A_169, %dma_start3A_200] : memref<40x64xi32, #tpu.memory_space<vmem>> -> memref<1x64xi32, #tpu.memory_space<vmem>>
        %dma_start3A_202 = tpu.memref_squeeze %dma_start3A_201 : memref<1x64xi32, #tpu.memory_space<vmem>> -> memref<64xi32, #tpu.memory_space<vmem>>
        %dma_start3A_203 = arith.constant 0 : i32
        %dma_start3A_204 = arith.constant 0 : i32
        %dma_start3A_205 = tpu.memref_slice %arg17[%dma_start3A_203, %dma_start3A_204] : memref<10112x128xf32, #tpu.memory_space<vmem_shared>> -> memref<10112x128xf32, #tpu.memory_space<vmem_shared>>
        tpu.enqueue_indirect_dma source(%arg11 : memref<64x128xf32, #tpu.memory_space<vmem>>) target(%dma_start3A_205 : memref<10112x128xf32, #tpu.memory_space<vmem_shared>>) offsets(%dma_start3A_202 : memref<64xi32, #tpu.memory_space<vmem>>) semaphore(%run_scoped3A : memref<!tpu.dma_semaphore, #tpu.memory_space<semaphore_mem>>) {add = true}
        %dma_wait3A_206 = arith.constant 0 : i32
        %dma_wait3A_207 = tpu.memref_slice %arg8[%add3A_169, %dma_wait3A_206] : memref<40x64xi32, #tpu.memory_space<vmem>> -> memref<1x64xi32, #tpu.memory_space<vmem>>
        %dma_wait3A_208 = tpu.memref_squeeze %dma_wait3A_207 : memref<1x64xi32, #tpu.memory_space<vmem>> -> memref<64xi32, #tpu.memory_space<vmem>>
        %dma_wait3A_209 = arith.constant 0 : i32
        %dma_wait3A_210 = arith.constant 0 : i32
        %dma_wait3A_211 = tpu.memref_slice %arg17[%dma_wait3A_209, %dma_wait3A_210] : memref<10112x128xf32, #tpu.memory_space<vmem_shared>> -> memref<10112x128xf32, #tpu.memory_space<vmem_shared>>
        tpu.wait_indirect_dma semaphore(%run_scoped3A : memref<!tpu.dma_semaphore, #tpu.memory_space<semaphore_mem>>) src(%arg11 : memref<64x128xf32, #tpu.memory_space<vmem>>) dst(%dma_wait3A_211 : memref<10112x128xf32, #tpu.memory_space<vmem_shared>>)
        tpu.yield
      }) : () -> ()
      %add3A_176 = arith.constant 4 : i32
      %add3A_177 = arith.addi %add3A_169, %add3A_176 : i32
      %lt3A_178 = arith.constant 40 : i32
      %lt3A_179 = arith.cmpi slt, %add3A_177, %lt3A_178 : i32
      %convert_element_type3A_180 = arith.extui %lt3A_179 : i1 to i32
      %cond3A_181 = arith.constant 0 : i32
      %cond3A_182 = arith.cmpi ne, %convert_element_type3A_180, %cond3A_181 : i32
      scf.if %cond3A_182 {
        %add3A_200 = arith.constant 4 : i32
        %add3A_201 = arith.addi %add3A_169, %add3A_200 : i32
        %dma_start3A_202 = arith.constant 0 : i32
        %dma_start3A_203 = tpu.memref_slice %arg7[%add3A_201, %dma_start3A_202] : memref<40x64xi32, #tpu.memory_space<vmem>> -> memref<1x64xi32, #tpu.memory_space<vmem>>
        %dma_start3A_204 = tpu.memref_squeeze %dma_start3A_203 : memref<1x64xi32, #tpu.memory_space<vmem>> -> memref<64xi32, #tpu.memory_space<vmem>>
        %dma_start3A_205 = arith.constant 0 : i32
        %dma_start3A_206 = arith.constant 0 : i32
        %dma_start3A_207 = tpu.memref_slice %arg2[%dma_start3A_205, %dma_start3A_206] : memref<10000x128xf32, #tpu.memory_space<hbm>> -> memref<10000x128xf32, #tpu.memory_space<hbm>>
        tpu.enqueue_indirect_dma source(%dma_start3A_207 : memref<10000x128xf32, #tpu.memory_space<hbm>>) target(%arg11 : memref<64x128xf32, #tpu.memory_space<vmem>>) offsets(%dma_start3A_204 : memref<64xi32, #tpu.memory_space<vmem>>) semaphore(%arg15 : memref<!tpu.dma_semaphore, #tpu.memory_space<semaphore_mem>>)
      } else {
      }
      %mul3A_183 = arith.constant 4 : i32
      %mul3A_184 = arith.muli %scan3A_136, %mul3A_183 : i32
      %add3A_185 = arith.constant 3 : i32
      %add3A_186 = arith.addi %mul3A_184, %add3A_185 : i32
      %dma_wait3A_187 = arith.constant 0 : i32
      %dma_wait3A_188 = arith.constant 0 : i32
      %dma_wait3A_189 = tpu.memref_slice %arg5[%dma_wait3A_187, %dma_wait3A_188] : memref<10112x128xf32, #tpu.memory_space<hbm>> -> memref<64x128xf32, #tpu.memory_space<hbm>>
      %dma_wait3A_190 = arith.constant 0 : i32
      %dma_wait3A_191 = arith.constant 0 : i32
      %dma_wait3A_192 = tpu.memref_slice %arg5[%dma_wait3A_190, %dma_wait3A_191] : memref<10112x128xf32, #tpu.memory_space<hbm>> -> memref<64x128xf32, #tpu.memory_space<hbm>>
      tpu.wait_dma2 semaphore(%arg16 : memref<!tpu.dma_semaphore, #tpu.memory_space<semaphore_mem>>) src(%dma_wait3A_192 : memref<64x128xf32, #tpu.memory_space<hbm>>) dst(%arg12 : memref<64x128xf32, #tpu.memory_space<vmem>>)
      "tpu.region"() ({
        %run_scoped3A = tpu.sem_alloc : memref<!tpu.dma_semaphore, #tpu.memory_space<semaphore_mem>>
        %dma_start3A_200 = arith.constant 0 : i32
        %dma_start3A_201 = tpu.memref_slice %arg8[%add3A_186, %dma_start3A_200] : memref<40x64xi32, #tpu.memory_space<vmem>> -> memref<1x64xi32, #tpu.memory_space<vmem>>
        %dma_start3A_202 = tpu.memref_squeeze %dma_start3A_201 : memref<1x64xi32, #tpu.memory_space<vmem>> -> memref<64xi32, #tpu.memory_space<vmem>>
        %dma_start3A_203 = arith.constant 0 : i32
        %dma_start3A_204 = arith.constant 0 : i32
        %dma_start3A_205 = tpu.memref_slice %arg17[%dma_start3A_203, %dma_start3A_204] : memref<10112x128xf32, #tpu.memory_space<vmem_shared>> -> memref<10112x128xf32, #tpu.memory_space<vmem_shared>>
        tpu.enqueue_indirect_dma source(%arg12 : memref<64x128xf32, #tpu.memory_space<vmem>>) target(%dma_start3A_205 : memref<10112x128xf32, #tpu.memory_space<vmem_shared>>) offsets(%dma_start3A_202 : memref<64xi32, #tpu.memory_space<vmem>>) semaphore(%run_scoped3A : memref<!tpu.dma_semaphore, #tpu.memory_space<semaphore_mem>>) {add = true}
        %dma_wait3A_206 = arith.constant 0 : i32
        %dma_wait3A_207 = tpu.memref_slice %arg8[%add3A_186, %dma_wait3A_206] : memref<40x64xi32, #tpu.memory_space<vmem>> -> memref<1x64xi32, #tpu.memory_space<vmem>>
        %dma_wait3A_208 = tpu.memref_squeeze %dma_wait3A_207 : memref<1x64xi32, #tpu.memory_space<vmem>> -> memref<64xi32, #tpu.memory_space<vmem>>
        %dma_wait3A_209 = arith.constant 0 : i32
        %dma_wait3A_210 = arith.constant 0 : i32
        %dma_wait3A_211 = tpu.memref_slice %arg17[%dma_wait3A_209, %dma_wait3A_210] : memref<10112x128xf32, #tpu.memory_space<vmem_shared>> -> memref<10112x128xf32, #tpu.memory_space<vmem_shared>>
        tpu.wait_indirect_dma semaphore(%run_scoped3A : memref<!tpu.dma_semaphore, #tpu.memory_space<semaphore_mem>>) src(%arg12 : memref<64x128xf32, #tpu.memory_space<vmem>>) dst(%dma_wait3A_211 : memref<10112x128xf32, #tpu.memory_space<vmem_shared>>)
        tpu.yield
      }) : () -> ()
      %add3A_193 = arith.constant 4 : i32
      %add3A_194 = arith.addi %add3A_186, %add3A_193 : i32
      %lt3A_195 = arith.constant 40 : i32
      %lt3A_196 = arith.cmpi slt, %add3A_194, %lt3A_195 : i32
      %convert_element_type3A_197 = arith.extui %lt3A_196 : i1 to i32
      %cond3A_198 = arith.constant 0 : i32
      %cond3A_199 = arith.cmpi ne, %convert_element_type3A_197, %cond3A_198 : i32
      scf.if %cond3A_199 {
        %add3A_200 = arith.constant 4 : i32
        %add3A_201 = arith.addi %add3A_186, %add3A_200 : i32
        %dma_start3A_202 = arith.constant 0 : i32
        %dma_start3A_203 = tpu.memref_slice %arg7[%add3A_201, %dma_start3A_202] : memref<40x64xi32, #tpu.memory_space<vmem>> -> memref<1x64xi32, #tpu.memory_space<vmem>>
        %dma_start3A_204 = tpu.memref_squeeze %dma_start3A_203 : memref<1x64xi32, #tpu.memory_space<vmem>> -> memref<64xi32, #tpu.memory_space<vmem>>
        %dma_start3A_205 = arith.constant 0 : i32
        %dma_start3A_206 = arith.constant 0 : i32
        %dma_start3A_207 = tpu.memref_slice %arg2[%dma_start3A_205, %dma_start3A_206] : memref<10000x128xf32, #tpu.memory_space<hbm>> -> memref<10000x128xf32, #tpu.memory_space<hbm>>
        tpu.enqueue_indirect_dma source(%dma_start3A_207 : memref<10000x128xf32, #tpu.memory_space<hbm>>) target(%arg12 : memref<64x128xf32, #tpu.memory_space<vmem>>) offsets(%dma_start3A_204 : memref<64xi32, #tpu.memory_space<vmem>>) semaphore(%arg16 : memref<!tpu.dma_semaphore, #tpu.memory_space<semaphore_mem>>)
      } else {
      }
    }
    %scan3A_66 = arith.constant 10 : i32
    "tpu.region"() ({
      %run_scoped3A = tpu.sem_alloc : memref<!tpu.dma_semaphore, #tpu.memory_space<semaphore_mem>>
      %dma_start3A_136 = arith.constant 80 : i32
      %dma_start3A_137 = arith.constant 0 : i32
      %dma_start3A_138 = tpu.memref_slice %arg3[%arg0, %arg1, %dma_start3A_136, %dma_start3A_137] : memref<2x16x160x64xi32, #tpu.memory_space<hbm>> -> memref<1x1x40x64xi32, #tpu.memory_space<hbm>>
      %dma_start3A_139 = tpu.memref_squeeze %dma_start3A_138 : memref<1x1x40x64xi32, #tpu.memory_space<hbm>> -> memref<40x64xi32, #tpu.memory_space<hbm>>
      %dma_start3A_140 = arith.constant 80 : i32
      %dma_start3A_141 = arith.constant 0 : i32
      %dma_start3A_142 = tpu.memref_slice %arg3[%arg0, %arg1, %dma_start3A_140, %dma_start3A_141] : memref<2x16x160x64xi32, #tpu.memory_space<hbm>> -> memref<1x1x40x64xi32, #tpu.memory_space<hbm>>
      %dma_start3A_143 = tpu.memref_squeeze %dma_start3A_142 : memref<1x1x40x64xi32, #tpu.memory_space<hbm>> -> memref<40x64xi32, #tpu.memory_space<hbm>>
      tpu.enqueue_dma source(%dma_start3A_143 : memref<40x64xi32, #tpu.memory_space<hbm>>) target(%arg7 : memref<40x64xi32, #tpu.memory_space<vmem>>) target_semaphore(%run_scoped3A : memref<!tpu.dma_semaphore, #tpu.memory_space<semaphore_mem>>)
      %dma_wait3A = arith.constant 80 : i32
      %dma_wait3A_144 = arith.constant 0 : i32
      %dma_wait3A_145 = tpu.memref_slice %arg3[%arg0, %arg1, %dma_wait3A, %dma_wait3A_144] : memref<2x16x160x64xi32, #tpu.memory_space<hbm>> -> memref<1x1x40x64xi32, #tpu.memory_space<hbm>>
      %dma_wait3A_146 = tpu.memref_squeeze %dma_wait3A_145 : memref<1x1x40x64xi32, #tpu.memory_space<hbm>> -> memref<40x64xi32, #tpu.memory_space<hbm>>
      %dma_wait3A_147 = arith.constant 80 : i32
      %dma_wait3A_148 = arith.constant 0 : i32
      %dma_wait3A_149 = tpu.memref_slice %arg3[%arg0, %arg1, %dma_wait3A_147, %dma_wait3A_148] : memref<2x16x160x64xi32, #tpu.memory_space<hbm>> -> memref<1x1x40x64xi32, #tpu.memory_space<hbm>>
      %dma_wait3A_150 = tpu.memref_squeeze %dma_wait3A_149 : memref<1x1x40x64xi32, #tpu.memory_space<hbm>> -> memref<40x64xi32, #tpu.memory_space<hbm>>
      tpu.wait_dma2 semaphore(%run_scoped3A : memref<!tpu.dma_semaphore, #tpu.memory_space<semaphore_mem>>) src(%dma_wait3A_150 : memref<40x64xi32, #tpu.memory_space<hbm>>) dst(%arg7 : memref<40x64xi32, #tpu.memory_space<vmem>>)
      tpu.yield
    }) : () -> ()
    "tpu.region"() ({
      %run_scoped3A = tpu.sem_alloc : memref<!tpu.dma_semaphore, #tpu.memory_space<semaphore_mem>>
      %dma_start3A_136 = arith.constant 80 : i32
      %dma_start3A_137 = arith.constant 0 : i32
      %dma_start3A_138 = tpu.memref_slice %arg4[%arg0, %arg1, %dma_start3A_136, %dma_start3A_137] : memref<2x16x160x64xi32, #tpu.memory_space<hbm>> -> memref<1x1x40x64xi32, #tpu.memory_space<hbm>>
      %dma_start3A_139 = tpu.memref_squeeze %dma_start3A_138 : memref<1x1x40x64xi32, #tpu.memory_space<hbm>> -> memref<40x64xi32, #tpu.memory_space<hbm>>
      %dma_start3A_140 = arith.constant 80 : i32
      %dma_start3A_141 = arith.constant 0 : i32
      %dma_start3A_142 = tpu.memref_slice %arg4[%arg0, %arg1, %dma_start3A_140, %dma_start3A_141] : memref<2x16x160x64xi32, #tpu.memory_space<hbm>> -> memref<1x1x40x64xi32, #tpu.memory_space<hbm>>
      %dma_start3A_143 = tpu.memref_squeeze %dma_start3A_142 : memref<1x1x40x64xi32, #tpu.memory_space<hbm>> -> memref<40x64xi32, #tpu.memory_space<hbm>>
      tpu.enqueue_dma source(%dma_start3A_143 : memref<40x64xi32, #tpu.memory_space<hbm>>) target(%arg8 : memref<40x64xi32, #tpu.memory_space<vmem>>) target_semaphore(%run_scoped3A : memref<!tpu.dma_semaphore, #tpu.memory_space<semaphore_mem>>)
      %dma_wait3A = arith.constant 80 : i32
      %dma_wait3A_144 = arith.constant 0 : i32
      %dma_wait3A_145 = tpu.memref_slice %arg4[%arg0, %arg1, %dma_wait3A, %dma_wait3A_144] : memref<2x16x160x64xi32, #tpu.memory_space<hbm>> -> memref<1x1x40x64xi32, #tpu.memory_space<hbm>>
      %dma_wait3A_146 = tpu.memref_squeeze %dma_wait3A_145 : memref<1x1x40x64xi32, #tpu.memory_space<hbm>> -> memref<40x64xi32, #tpu.memory_space<hbm>>
      %dma_wait3A_147 = arith.constant 80 : i32
      %dma_wait3A_148 = arith.constant 0 : i32
      %dma_wait3A_149 = tpu.memref_slice %arg4[%arg0, %arg1, %dma_wait3A_147, %dma_wait3A_148] : memref<2x16x160x64xi32, #tpu.memory_space<hbm>> -> memref<1x1x40x64xi32, #tpu.memory_space<hbm>>
      %dma_wait3A_150 = tpu.memref_squeeze %dma_wait3A_149 : memref<1x1x40x64xi32, #tpu.memory_space<hbm>> -> memref<40x64xi32, #tpu.memory_space<hbm>>
      tpu.wait_dma2 semaphore(%run_scoped3A : memref<!tpu.dma_semaphore, #tpu.memory_space<semaphore_mem>>) src(%dma_wait3A_150 : memref<40x64xi32, #tpu.memory_space<hbm>>) dst(%arg8 : memref<40x64xi32, #tpu.memory_space<vmem>>)
      tpu.yield
    }) : () -> ()
    %dma_start3A_67 = arith.constant 0 : i32
    %dma_start3A_68 = arith.constant 0 : i32
    %dma_start3A_69 = tpu.memref_slice %arg7[%dma_start3A_67, %dma_start3A_68] : memref<40x64xi32, #tpu.memory_space<vmem>> -> memref<1x64xi32, #tpu.memory_space<vmem>>
    %dma_start3A_70 = tpu.memref_squeeze %dma_start3A_69 : memref<1x64xi32, #tpu.memory_space<vmem>> -> memref<64xi32, #tpu.memory_space<vmem>>
    %dma_start3A_71 = arith.constant 0 : i32
    %dma_start3A_72 = arith.constant 0 : i32
    %dma_start3A_73 = tpu.memref_slice %arg2[%dma_start3A_71, %dma_start3A_72] : memref<10000x128xf32, #tpu.memory_space<hbm>> -> memref<10000x128xf32, #tpu.memory_space<hbm>>
    tpu.enqueue_indirect_dma source(%dma_start3A_73 : memref<10000x128xf32, #tpu.memory_space<hbm>>) target(%arg9 : memref<64x128xf32, #tpu.memory_space<vmem>>) offsets(%dma_start3A_70 : memref<64xi32, #tpu.memory_space<vmem>>) semaphore(%arg13 : memref<!tpu.dma_semaphore, #tpu.memory_space<semaphore_mem>>)
    %dma_start3A_74 = arith.constant 1 : i32
    %dma_start3A_75 = arith.constant 0 : i32
    %dma_start3A_76 = tpu.memref_slice %arg7[%dma_start3A_74, %dma_start3A_75] : memref<40x64xi32, #tpu.memory_space<vmem>> -> memref<1x64xi32, #tpu.memory_space<vmem>>
    %dma_start3A_77 = tpu.memref_squeeze %dma_start3A_76 : memref<1x64xi32, #tpu.memory_space<vmem>> -> memref<64xi32, #tpu.memory_space<vmem>>
    %dma_start3A_78 = arith.constant 0 : i32
    %dma_start3A_79 = arith.constant 0 : i32
    %dma_start3A_80 = tpu.memref_slice %arg2[%dma_start3A_78, %dma_start3A_79] : memref<10000x128xf32, #tpu.memory_space<hbm>> -> memref<10000x128xf32, #tpu.memory_space<hbm>>
    tpu.enqueue_indirect_dma source(%dma_start3A_80 : memref<10000x128xf32, #tpu.memory_space<hbm>>) target(%arg10 : memref<64x128xf32, #tpu.memory_space<vmem>>) offsets(%dma_start3A_77 : memref<64xi32, #tpu.memory_space<vmem>>) semaphore(%arg14 : memref<!tpu.dma_semaphore, #tpu.memory_space<semaphore_mem>>)
    %dma_start3A_81 = arith.constant 2 : i32
    %dma_start3A_82 = arith.constant 0 : i32
    %dma_start3A_83 = tpu.memref_slice %arg7[%dma_start3A_81, %dma_start3A_82] : memref<40x64xi32, #tpu.memory_space<vmem>> -> memref<1x64xi32, #tpu.memory_space<vmem>>
    %dma_start3A_84 = tpu.memref_squeeze %dma_start3A_83 : memref<1x64xi32, #tpu.memory_space<vmem>> -> memref<64xi32, #tpu.memory_space<vmem>>
    %dma_start3A_85 = arith.constant 0 : i32
    %dma_start3A_86 = arith.constant 0 : i32
    %dma_start3A_87 = tpu.memref_slice %arg2[%dma_start3A_85, %dma_start3A_86] : memref<10000x128xf32, #tpu.memory_space<hbm>> -> memref<10000x128xf32, #tpu.memory_space<hbm>>
    tpu.enqueue_indirect_dma source(%dma_start3A_87 : memref<10000x128xf32, #tpu.memory_space<hbm>>) target(%arg11 : memref<64x128xf32, #tpu.memory_space<vmem>>) offsets(%dma_start3A_84 : memref<64xi32, #tpu.memory_space<vmem>>) semaphore(%arg15 : memref<!tpu.dma_semaphore, #tpu.memory_space<semaphore_mem>>)
    %dma_start3A_88 = arith.constant 3 : i32
    %dma_start3A_89 = arith.constant 0 : i32
    %dma_start3A_90 = tpu.memref_slice %arg7[%dma_start3A_88, %dma_start3A_89] : memref<40x64xi32, #tpu.memory_space<vmem>> -> memref<1x64xi32, #tpu.memory_space<vmem>>
    %dma_start3A_91 = tpu.memref_squeeze %dma_start3A_90 : memref<1x64xi32, #tpu.memory_space<vmem>> -> memref<64xi32, #tpu.memory_space<vmem>>
    %dma_start3A_92 = arith.constant 0 : i32
    %dma_start3A_93 = arith.constant 0 : i32
    %dma_start3A_94 = tpu.memref_slice %arg2[%dma_start3A_92, %dma_start3A_93] : memref<10000x128xf32, #tpu.memory_space<hbm>> -> memref<10000x128xf32, #tpu.memory_space<hbm>>
    tpu.enqueue_indirect_dma source(%dma_start3A_94 : memref<10000x128xf32, #tpu.memory_space<hbm>>) target(%arg12 : memref<64x128xf32, #tpu.memory_space<vmem>>) offsets(%dma_start3A_91 : memref<64xi32, #tpu.memory_space<vmem>>) semaphore(%arg16 : memref<!tpu.dma_semaphore, #tpu.memory_space<semaphore_mem>>)
    %scan3A_95 = arith.constant 0 : i32
    %scan3A_96 = arith.constant 0 : i32
    %scan3A_97 = arith.constant 10 : i32
    %scan3A_98 = arith.addi %scan3A_96, %scan3A_97 : i32
    %scan3A_99 = arith.constant 1 : i32
    scf.for %scan3A_136 = %scan3A_96 to %scan3A_98 step %scan3A_99  : i32 {
      %mul3A_137 = arith.constant 4 : i32
      %mul3A_138 = arith.muli %scan3A_136, %mul3A_137 : i32
      %add3A = arith.constant 0 : i32
      %add3A_139 = arith.addi %mul3A_138, %add3A : i32
      %dma_wait3A = arith.constant 0 : i32
      %dma_wait3A_140 = arith.constant 0 : i32
      %dma_wait3A_141 = tpu.memref_slice %arg5[%dma_wait3A, %dma_wait3A_140] : memref<10112x128xf32, #tpu.memory_space<hbm>> -> memref<64x128xf32, #tpu.memory_space<hbm>>
      %dma_wait3A_142 = arith.constant 0 : i32
      %dma_wait3A_143 = arith.constant 0 : i32
      %dma_wait3A_144 = tpu.memref_slice %arg5[%dma_wait3A_142, %dma_wait3A_143] : memref<10112x128xf32, #tpu.memory_space<hbm>> -> memref<64x128xf32, #tpu.memory_space<hbm>>
      tpu.wait_dma2 semaphore(%arg13 : memref<!tpu.dma_semaphore, #tpu.memory_space<semaphore_mem>>) src(%dma_wait3A_144 : memref<64x128xf32, #tpu.memory_space<hbm>>) dst(%arg9 : memref<64x128xf32, #tpu.memory_space<vmem>>)
      "tpu.region"() ({
        %run_scoped3A = tpu.sem_alloc : memref<!tpu.dma_semaphore, #tpu.memory_space<semaphore_mem>>
        %dma_start3A_200 = arith.constant 0 : i32
        %dma_start3A_201 = tpu.memref_slice %arg8[%add3A_139, %dma_start3A_200] : memref<40x64xi32, #tpu.memory_space<vmem>> -> memref<1x64xi32, #tpu.memory_space<vmem>>
        %dma_start3A_202 = tpu.memref_squeeze %dma_start3A_201 : memref<1x64xi32, #tpu.memory_space<vmem>> -> memref<64xi32, #tpu.memory_space<vmem>>
        %dma_start3A_203 = arith.constant 0 : i32
        %dma_start3A_204 = arith.constant 0 : i32
        %dma_start3A_205 = tpu.memref_slice %arg17[%dma_start3A_203, %dma_start3A_204] : memref<10112x128xf32, #tpu.memory_space<vmem_shared>> -> memref<10112x128xf32, #tpu.memory_space<vmem_shared>>
        tpu.enqueue_indirect_dma source(%arg9 : memref<64x128xf32, #tpu.memory_space<vmem>>) target(%dma_start3A_205 : memref<10112x128xf32, #tpu.memory_space<vmem_shared>>) offsets(%dma_start3A_202 : memref<64xi32, #tpu.memory_space<vmem>>) semaphore(%run_scoped3A : memref<!tpu.dma_semaphore, #tpu.memory_space<semaphore_mem>>) {add = true}
        %dma_wait3A_206 = arith.constant 0 : i32
        %dma_wait3A_207 = tpu.memref_slice %arg8[%add3A_139, %dma_wait3A_206] : memref<40x64xi32, #tpu.memory_space<vmem>> -> memref<1x64xi32, #tpu.memory_space<vmem>>
        %dma_wait3A_208 = tpu.memref_squeeze %dma_wait3A_207 : memref<1x64xi32, #tpu.memory_space<vmem>> -> memref<64xi32, #tpu.memory_space<vmem>>
        %dma_wait3A_209 = arith.constant 0 : i32
        %dma_wait3A_210 = arith.constant 0 : i32
        %dma_wait3A_211 = tpu.memref_slice %arg17[%dma_wait3A_209, %dma_wait3A_210] : memref<10112x128xf32, #tpu.memory_space<vmem_shared>> -> memref<10112x128xf32, #tpu.memory_space<vmem_shared>>
        tpu.wait_indirect_dma semaphore(%run_scoped3A : memref<!tpu.dma_semaphore, #tpu.memory_space<semaphore_mem>>) src(%arg9 : memref<64x128xf32, #tpu.memory_space<vmem>>) dst(%dma_wait3A_211 : memref<10112x128xf32, #tpu.memory_space<vmem_shared>>)
        tpu.yield
      }) : () -> ()
      %add3A_145 = arith.constant 4 : i32
      %add3A_146 = arith.addi %add3A_139, %add3A_145 : i32
      %lt3A = arith.constant 40 : i32
      %lt3A_147 = arith.cmpi slt, %add3A_146, %lt3A : i32
      %convert_element_type3A = arith.extui %lt3A_147 : i1 to i32
      %cond3A = arith.constant 0 : i32
      %cond3A_148 = arith.cmpi ne, %convert_element_type3A, %cond3A : i32
      scf.if %cond3A_148 {
        %add3A_200 = arith.constant 4 : i32
        %add3A_201 = arith.addi %add3A_139, %add3A_200 : i32
        %dma_start3A_202 = arith.constant 0 : i32
        %dma_start3A_203 = tpu.memref_slice %arg7[%add3A_201, %dma_start3A_202] : memref<40x64xi32, #tpu.memory_space<vmem>> -> memref<1x64xi32, #tpu.memory_space<vmem>>
        %dma_start3A_204 = tpu.memref_squeeze %dma_start3A_203 : memref<1x64xi32, #tpu.memory_space<vmem>> -> memref<64xi32, #tpu.memory_space<vmem>>
        %dma_start3A_205 = arith.constant 0 : i32
        %dma_start3A_206 = arith.constant 0 : i32
        %dma_start3A_207 = tpu.memref_slice %arg2[%dma_start3A_205, %dma_start3A_206] : memref<10000x128xf32, #tpu.memory_space<hbm>> -> memref<10000x128xf32, #tpu.memory_space<hbm>>
        tpu.enqueue_indirect_dma source(%dma_start3A_207 : memref<10000x128xf32, #tpu.memory_space<hbm>>) target(%arg9 : memref<64x128xf32, #tpu.memory_space<vmem>>) offsets(%dma_start3A_204 : memref<64xi32, #tpu.memory_space<vmem>>) semaphore(%arg13 : memref<!tpu.dma_semaphore, #tpu.memory_space<semaphore_mem>>)
      } else {
      }
      %mul3A_149 = arith.constant 4 : i32
      %mul3A_150 = arith.muli %scan3A_136, %mul3A_149 : i32
      %add3A_151 = arith.constant 1 : i32
      %add3A_152 = arith.addi %mul3A_150, %add3A_151 : i32
      %dma_wait3A_153 = arith.constant 0 : i32
      %dma_wait3A_154 = arith.constant 0 : i32
      %dma_wait3A_155 = tpu.memref_slice %arg5[%dma_wait3A_153, %dma_wait3A_154] : memref<10112x128xf32, #tpu.memory_space<hbm>> -> memref<64x128xf32, #tpu.memory_space<hbm>>
      %dma_wait3A_156 = arith.constant 0 : i32
      %dma_wait3A_157 = arith.constant 0 : i32
      %dma_wait3A_158 = tpu.memref_slice %arg5[%dma_wait3A_156, %dma_wait3A_157] : memref<10112x128xf32, #tpu.memory_space<hbm>> -> memref<64x128xf32, #tpu.memory_space<hbm>>
      tpu.wait_dma2 semaphore(%arg14 : memref<!tpu.dma_semaphore, #tpu.memory_space<semaphore_mem>>) src(%dma_wait3A_158 : memref<64x128xf32, #tpu.memory_space<hbm>>) dst(%arg10 : memref<64x128xf32, #tpu.memory_space<vmem>>)
      "tpu.region"() ({
        %run_scoped3A = tpu.sem_alloc : memref<!tpu.dma_semaphore, #tpu.memory_space<semaphore_mem>>
        %dma_start3A_200 = arith.constant 0 : i32
        %dma_start3A_201 = tpu.memref_slice %arg8[%add3A_152, %dma_start3A_200] : memref<40x64xi32, #tpu.memory_space<vmem>> -> memref<1x64xi32, #tpu.memory_space<vmem>>
        %dma_start3A_202 = tpu.memref_squeeze %dma_start3A_201 : memref<1x64xi32, #tpu.memory_space<vmem>> -> memref<64xi32, #tpu.memory_space<vmem>>
        %dma_start3A_203 = arith.constant 0 : i32
        %dma_start3A_204 = arith.constant 0 : i32
        %dma_start3A_205 = tpu.memref_slice %arg17[%dma_start3A_203, %dma_start3A_204] : memref<10112x128xf32, #tpu.memory_space<vmem_shared>> -> memref<10112x128xf32, #tpu.memory_space<vmem_shared>>
        tpu.enqueue_indirect_dma source(%arg10 : memref<64x128xf32, #tpu.memory_space<vmem>>) target(%dma_start3A_205 : memref<10112x128xf32, #tpu.memory_space<vmem_shared>>) offsets(%dma_start3A_202 : memref<64xi32, #tpu.memory_space<vmem>>) semaphore(%run_scoped3A : memref<!tpu.dma_semaphore, #tpu.memory_space<semaphore_mem>>) {add = true}
        %dma_wait3A_206 = arith.constant 0 : i32
        %dma_wait3A_207 = tpu.memref_slice %arg8[%add3A_152, %dma_wait3A_206] : memref<40x64xi32, #tpu.memory_space<vmem>> -> memref<1x64xi32, #tpu.memory_space<vmem>>
        %dma_wait3A_208 = tpu.memref_squeeze %dma_wait3A_207 : memref<1x64xi32, #tpu.memory_space<vmem>> -> memref<64xi32, #tpu.memory_space<vmem>>
        %dma_wait3A_209 = arith.constant 0 : i32
        %dma_wait3A_210 = arith.constant 0 : i32
        %dma_wait3A_211 = tpu.memref_slice %arg17[%dma_wait3A_209, %dma_wait3A_210] : memref<10112x128xf32, #tpu.memory_space<vmem_shared>> -> memref<10112x128xf32, #tpu.memory_space<vmem_shared>>
        tpu.wait_indirect_dma semaphore(%run_scoped3A : memref<!tpu.dma_semaphore, #tpu.memory_space<semaphore_mem>>) src(%arg10 : memref<64x128xf32, #tpu.memory_space<vmem>>) dst(%dma_wait3A_211 : memref<10112x128xf32, #tpu.memory_space<vmem_shared>>)
        tpu.yield
      }) : () -> ()
      %add3A_159 = arith.constant 4 : i32
      %add3A_160 = arith.addi %add3A_152, %add3A_159 : i32
      %lt3A_161 = arith.constant 40 : i32
      %lt3A_162 = arith.cmpi slt, %add3A_160, %lt3A_161 : i32
      %convert_element_type3A_163 = arith.extui %lt3A_162 : i1 to i32
      %cond3A_164 = arith.constant 0 : i32
      %cond3A_165 = arith.cmpi ne, %convert_element_type3A_163, %cond3A_164 : i32
      scf.if %cond3A_165 {
        %add3A_200 = arith.constant 4 : i32
        %add3A_201 = arith.addi %add3A_152, %add3A_200 : i32
        %dma_start3A_202 = arith.constant 0 : i32
        %dma_start3A_203 = tpu.memref_slice %arg7[%add3A_201, %dma_start3A_202] : memref<40x64xi32, #tpu.memory_space<vmem>> -> memref<1x64xi32, #tpu.memory_space<vmem>>
        %dma_start3A_204 = tpu.memref_squeeze %dma_start3A_203 : memref<1x64xi32, #tpu.memory_space<vmem>> -> memref<64xi32, #tpu.memory_space<vmem>>
        %dma_start3A_205 = arith.constant 0 : i32
        %dma_start3A_206 = arith.constant 0 : i32
        %dma_start3A_207 = tpu.memref_slice %arg2[%dma_start3A_205, %dma_start3A_206] : memref<10000x128xf32, #tpu.memory_space<hbm>> -> memref<10000x128xf32, #tpu.memory_space<hbm>>
        tpu.enqueue_indirect_dma source(%dma_start3A_207 : memref<10000x128xf32, #tpu.memory_space<hbm>>) target(%arg10 : memref<64x128xf32, #tpu.memory_space<vmem>>) offsets(%dma_start3A_204 : memref<64xi32, #tpu.memory_space<vmem>>) semaphore(%arg14 : memref<!tpu.dma_semaphore, #tpu.memory_space<semaphore_mem>>)
      } else {
      }
      %mul3A_166 = arith.constant 4 : i32
      %mul3A_167 = arith.muli %scan3A_136, %mul3A_166 : i32
      %add3A_168 = arith.constant 2 : i32
      %add3A_169 = arith.addi %mul3A_167, %add3A_168 : i32
      %dma_wait3A_170 = arith.constant 0 : i32
      %dma_wait3A_171 = arith.constant 0 : i32
      %dma_wait3A_172 = tpu.memref_slice %arg5[%dma_wait3A_170, %dma_wait3A_171] : memref<10112x128xf32, #tpu.memory_space<hbm>> -> memref<64x128xf32, #tpu.memory_space<hbm>>
      %dma_wait3A_173 = arith.constant 0 : i32
      %dma_wait3A_174 = arith.constant 0 : i32
      %dma_wait3A_175 = tpu.memref_slice %arg5[%dma_wait3A_173, %dma_wait3A_174] : memref<10112x128xf32, #tpu.memory_space<hbm>> -> memref<64x128xf32, #tpu.memory_space<hbm>>
      tpu.wait_dma2 semaphore(%arg15 : memref<!tpu.dma_semaphore, #tpu.memory_space<semaphore_mem>>) src(%dma_wait3A_175 : memref<64x128xf32, #tpu.memory_space<hbm>>) dst(%arg11 : memref<64x128xf32, #tpu.memory_space<vmem>>)
      "tpu.region"() ({
        %run_scoped3A = tpu.sem_alloc : memref<!tpu.dma_semaphore, #tpu.memory_space<semaphore_mem>>
        %dma_start3A_200 = arith.constant 0 : i32
        %dma_start3A_201 = tpu.memref_slice %arg8[%add3A_169, %dma_start3A_200] : memref<40x64xi32, #tpu.memory_space<vmem>> -> memref<1x64xi32, #tpu.memory_space<vmem>>
        %dma_start3A_202 = tpu.memref_squeeze %dma_start3A_201 : memref<1x64xi32, #tpu.memory_space<vmem>> -> memref<64xi32, #tpu.memory_space<vmem>>
        %dma_start3A_203 = arith.constant 0 : i32
        %dma_start3A_204 = arith.constant 0 : i32
        %dma_start3A_205 = tpu.memref_slice %arg17[%dma_start3A_203, %dma_start3A_204] : memref<10112x128xf32, #tpu.memory_space<vmem_shared>> -> memref<10112x128xf32, #tpu.memory_space<vmem_shared>>
        tpu.enqueue_indirect_dma source(%arg11 : memref<64x128xf32, #tpu.memory_space<vmem>>) target(%dma_start3A_205 : memref<10112x128xf32, #tpu.memory_space<vmem_shared>>) offsets(%dma_start3A_202 : memref<64xi32, #tpu.memory_space<vmem>>) semaphore(%run_scoped3A : memref<!tpu.dma_semaphore, #tpu.memory_space<semaphore_mem>>) {add = true}
        %dma_wait3A_206 = arith.constant 0 : i32
        %dma_wait3A_207 = tpu.memref_slice %arg8[%add3A_169, %dma_wait3A_206] : memref<40x64xi32, #tpu.memory_space<vmem>> -> memref<1x64xi32, #tpu.memory_space<vmem>>
        %dma_wait3A_208 = tpu.memref_squeeze %dma_wait3A_207 : memref<1x64xi32, #tpu.memory_space<vmem>> -> memref<64xi32, #tpu.memory_space<vmem>>
        %dma_wait3A_209 = arith.constant 0 : i32
        %dma_wait3A_210 = arith.constant 0 : i32
        %dma_wait3A_211 = tpu.memref_slice %arg17[%dma_wait3A_209, %dma_wait3A_210] : memref<10112x128xf32, #tpu.memory_space<vmem_shared>> -> memref<10112x128xf32, #tpu.memory_space<vmem_shared>>
        tpu.wait_indirect_dma semaphore(%run_scoped3A : memref<!tpu.dma_semaphore, #tpu.memory_space<semaphore_mem>>) src(%arg11 : memref<64x128xf32, #tpu.memory_space<vmem>>) dst(%dma_wait3A_211 : memref<10112x128xf32, #tpu.memory_space<vmem_shared>>)
        tpu.yield
      }) : () -> ()
      %add3A_176 = arith.constant 4 : i32
      %add3A_177 = arith.addi %add3A_169, %add3A_176 : i32
      %lt3A_178 = arith.constant 40 : i32
      %lt3A_179 = arith.cmpi slt, %add3A_177, %lt3A_178 : i32
      %convert_element_type3A_180 = arith.extui %lt3A_179 : i1 to i32
      %cond3A_181 = arith.constant 0 : i32
      %cond3A_182 = arith.cmpi ne, %convert_element_type3A_180, %cond3A_181 : i32
      scf.if %cond3A_182 {
        %add3A_200 = arith.constant 4 : i32
        %add3A_201 = arith.addi %add3A_169, %add3A_200 : i32
        %dma_start3A_202 = arith.constant 0 : i32
        %dma_start3A_203 = tpu.memref_slice %arg7[%add3A_201, %dma_start3A_202] : memref<40x64xi32, #tpu.memory_space<vmem>> -> memref<1x64xi32, #tpu.memory_space<vmem>>
        %dma_start3A_204 = tpu.memref_squeeze %dma_start3A_203 : memref<1x64xi32, #tpu.memory_space<vmem>> -> memref<64xi32, #tpu.memory_space<vmem>>
        %dma_start3A_205 = arith.constant 0 : i32
        %dma_start3A_206 = arith.constant 0 : i32
        %dma_start3A_207 = tpu.memref_slice %arg2[%dma_start3A_205, %dma_start3A_206] : memref<10000x128xf32, #tpu.memory_space<hbm>> -> memref<10000x128xf32, #tpu.memory_space<hbm>>
        tpu.enqueue_indirect_dma source(%dma_start3A_207 : memref<10000x128xf32, #tpu.memory_space<hbm>>) target(%arg11 : memref<64x128xf32, #tpu.memory_space<vmem>>) offsets(%dma_start3A_204 : memref<64xi32, #tpu.memory_space<vmem>>) semaphore(%arg15 : memref<!tpu.dma_semaphore, #tpu.memory_space<semaphore_mem>>)
      } else {
      }
      %mul3A_183 = arith.constant 4 : i32
      %mul3A_184 = arith.muli %scan3A_136, %mul3A_183 : i32
      %add3A_185 = arith.constant 3 : i32
      %add3A_186 = arith.addi %mul3A_184, %add3A_185 : i32
      %dma_wait3A_187 = arith.constant 0 : i32
      %dma_wait3A_188 = arith.constant 0 : i32
      %dma_wait3A_189 = tpu.memref_slice %arg5[%dma_wait3A_187, %dma_wait3A_188] : memref<10112x128xf32, #tpu.memory_space<hbm>> -> memref<64x128xf32, #tpu.memory_space<hbm>>
      %dma_wait3A_190 = arith.constant 0 : i32
      %dma_wait3A_191 = arith.constant 0 : i32
      %dma_wait3A_192 = tpu.memref_slice %arg5[%dma_wait3A_190, %dma_wait3A_191] : memref<10112x128xf32, #tpu.memory_space<hbm>> -> memref<64x128xf32, #tpu.memory_space<hbm>>
      tpu.wait_dma2 semaphore(%arg16 : memref<!tpu.dma_semaphore, #tpu.memory_space<semaphore_mem>>) src(%dma_wait3A_192 : memref<64x128xf32, #tpu.memory_space<hbm>>) dst(%arg12 : memref<64x128xf32, #tpu.memory_space<vmem>>)
      "tpu.region"() ({
        %run_scoped3A = tpu.sem_alloc : memref<!tpu.dma_semaphore, #tpu.memory_space<semaphore_mem>>
        %dma_start3A_200 = arith.constant 0 : i32
        %dma_start3A_201 = tpu.memref_slice %arg8[%add3A_186, %dma_start3A_200] : memref<40x64xi32, #tpu.memory_space<vmem>> -> memref<1x64xi32, #tpu.memory_space<vmem>>
        %dma_start3A_202 = tpu.memref_squeeze %dma_start3A_201 : memref<1x64xi32, #tpu.memory_space<vmem>> -> memref<64xi32, #tpu.memory_space<vmem>>
        %dma_start3A_203 = arith.constant 0 : i32
        %dma_start3A_204 = arith.constant 0 : i32
        %dma_start3A_205 = tpu.memref_slice %arg17[%dma_start3A_203, %dma_start3A_204] : memref<10112x128xf32, #tpu.memory_space<vmem_shared>> -> memref<10112x128xf32, #tpu.memory_space<vmem_shared>>
        tpu.enqueue_indirect_dma source(%arg12 : memref<64x128xf32, #tpu.memory_space<vmem>>) target(%dma_start3A_205 : memref<10112x128xf32, #tpu.memory_space<vmem_shared>>) offsets(%dma_start3A_202 : memref<64xi32, #tpu.memory_space<vmem>>) semaphore(%run_scoped3A : memref<!tpu.dma_semaphore, #tpu.memory_space<semaphore_mem>>) {add = true}
        %dma_wait3A_206 = arith.constant 0 : i32
        %dma_wait3A_207 = tpu.memref_slice %arg8[%add3A_186, %dma_wait3A_206] : memref<40x64xi32, #tpu.memory_space<vmem>> -> memref<1x64xi32, #tpu.memory_space<vmem>>
        %dma_wait3A_208 = tpu.memref_squeeze %dma_wait3A_207 : memref<1x64xi32, #tpu.memory_space<vmem>> -> memref<64xi32, #tpu.memory_space<vmem>>
        %dma_wait3A_209 = arith.constant 0 : i32
        %dma_wait3A_210 = arith.constant 0 : i32
        %dma_wait3A_211 = tpu.memref_slice %arg17[%dma_wait3A_209, %dma_wait3A_210] : memref<10112x128xf32, #tpu.memory_space<vmem_shared>> -> memref<10112x128xf32, #tpu.memory_space<vmem_shared>>
        tpu.wait_indirect_dma semaphore(%run_scoped3A : memref<!tpu.dma_semaphore, #tpu.memory_space<semaphore_mem>>) src(%arg12 : memref<64x128xf32, #tpu.memory_space<vmem>>) dst(%dma_wait3A_211 : memref<10112x128xf32, #tpu.memory_space<vmem_shared>>)
        tpu.yield
      }) : () -> ()
      %add3A_193 = arith.constant 4 : i32
      %add3A_194 = arith.addi %add3A_186, %add3A_193 : i32
      %lt3A_195 = arith.constant 40 : i32
      %lt3A_196 = arith.cmpi slt, %add3A_194, %lt3A_195 : i32
      %convert_element_type3A_197 = arith.extui %lt3A_196 : i1 to i32
      %cond3A_198 = arith.constant 0 : i32
      %cond3A_199 = arith.cmpi ne, %convert_element_type3A_197, %cond3A_198 : i32
      scf.if %cond3A_199 {
        %add3A_200 = arith.constant 4 : i32
        %add3A_201 = arith.addi %add3A_186, %add3A_200 : i32
        %dma_start3A_202 = arith.constant 0 : i32
        %dma_start3A_203 = tpu.memref_slice %arg7[%add3A_201, %dma_start3A_202] : memref<40x64xi32, #tpu.memory_space<vmem>> -> memref<1x64xi32, #tpu.memory_space<vmem>>
        %dma_start3A_204 = tpu.memref_squeeze %dma_start3A_203 : memref<1x64xi32, #tpu.memory_space<vmem>> -> memref<64xi32, #tpu.memory_space<vmem>>
        %dma_start3A_205 = arith.constant 0 : i32
        %dma_start3A_206 = arith.constant 0 : i32
        %dma_start3A_207 = tpu.memref_slice %arg2[%dma_start3A_205, %dma_start3A_206] : memref<10000x128xf32, #tpu.memory_space<hbm>> -> memref<10000x128xf32, #tpu.memory_space<hbm>>
        tpu.enqueue_indirect_dma source(%dma_start3A_207 : memref<10000x128xf32, #tpu.memory_space<hbm>>) target(%arg12 : memref<64x128xf32, #tpu.memory_space<vmem>>) offsets(%dma_start3A_204 : memref<64xi32, #tpu.memory_space<vmem>>) semaphore(%arg16 : memref<!tpu.dma_semaphore, #tpu.memory_space<semaphore_mem>>)
      } else {
      }
    }
    %scan3A_100 = arith.constant 10 : i32
    "tpu.region"() ({
      %run_scoped3A = tpu.sem_alloc : memref<!tpu.dma_semaphore, #tpu.memory_space<semaphore_mem>>
      %dma_start3A_136 = arith.constant 120 : i32
      %dma_start3A_137 = arith.constant 0 : i32
      %dma_start3A_138 = tpu.memref_slice %arg3[%arg0, %arg1, %dma_start3A_136, %dma_start3A_137] : memref<2x16x160x64xi32, #tpu.memory_space<hbm>> -> memref<1x1x40x64xi32, #tpu.memory_space<hbm>>
      %dma_start3A_139 = tpu.memref_squeeze %dma_start3A_138 : memref<1x1x40x64xi32, #tpu.memory_space<hbm>> -> memref<40x64xi32, #tpu.memory_space<hbm>>
      %dma_start3A_140 = arith.constant 120 : i32
      %dma_start3A_141 = arith.constant 0 : i32
      %dma_start3A_142 = tpu.memref_slice %arg3[%arg0, %arg1, %dma_start3A_140, %dma_start3A_141] : memref<2x16x160x64xi32, #tpu.memory_space<hbm>> -> memref<1x1x40x64xi32, #tpu.memory_space<hbm>>
      %dma_start3A_143 = tpu.memref_squeeze %dma_start3A_142 : memref<1x1x40x64xi32, #tpu.memory_space<hbm>> -> memref<40x64xi32, #tpu.memory_space<hbm>>
      tpu.enqueue_dma source(%dma_start3A_143 : memref<40x64xi32, #tpu.memory_space<hbm>>) target(%arg7 : memref<40x64xi32, #tpu.memory_space<vmem>>) target_semaphore(%run_scoped3A : memref<!tpu.dma_semaphore, #tpu.memory_space<semaphore_mem>>)
      %dma_wait3A = arith.constant 120 : i32
      %dma_wait3A_144 = arith.constant 0 : i32
      %dma_wait3A_145 = tpu.memref_slice %arg3[%arg0, %arg1, %dma_wait3A, %dma_wait3A_144] : memref<2x16x160x64xi32, #tpu.memory_space<hbm>> -> memref<1x1x40x64xi32, #tpu.memory_space<hbm>>
      %dma_wait3A_146 = tpu.memref_squeeze %dma_wait3A_145 : memref<1x1x40x64xi32, #tpu.memory_space<hbm>> -> memref<40x64xi32, #tpu.memory_space<hbm>>
      %dma_wait3A_147 = arith.constant 120 : i32
      %dma_wait3A_148 = arith.constant 0 : i32
      %dma_wait3A_149 = tpu.memref_slice %arg3[%arg0, %arg1, %dma_wait3A_147, %dma_wait3A_148] : memref<2x16x160x64xi32, #tpu.memory_space<hbm>> -> memref<1x1x40x64xi32, #tpu.memory_space<hbm>>
      %dma_wait3A_150 = tpu.memref_squeeze %dma_wait3A_149 : memref<1x1x40x64xi32, #tpu.memory_space<hbm>> -> memref<40x64xi32, #tpu.memory_space<hbm>>
      tpu.wait_dma2 semaphore(%run_scoped3A : memref<!tpu.dma_semaphore, #tpu.memory_space<semaphore_mem>>) src(%dma_wait3A_150 : memref<40x64xi32, #tpu.memory_space<hbm>>) dst(%arg7 : memref<40x64xi32, #tpu.memory_space<vmem>>)
      tpu.yield
    }) : () -> ()
    "tpu.region"() ({
      %run_scoped3A = tpu.sem_alloc : memref<!tpu.dma_semaphore, #tpu.memory_space<semaphore_mem>>
      %dma_start3A_136 = arith.constant 120 : i32
      %dma_start3A_137 = arith.constant 0 : i32
      %dma_start3A_138 = tpu.memref_slice %arg4[%arg0, %arg1, %dma_start3A_136, %dma_start3A_137] : memref<2x16x160x64xi32, #tpu.memory_space<hbm>> -> memref<1x1x40x64xi32, #tpu.memory_space<hbm>>
      %dma_start3A_139 = tpu.memref_squeeze %dma_start3A_138 : memref<1x1x40x64xi32, #tpu.memory_space<hbm>> -> memref<40x64xi32, #tpu.memory_space<hbm>>
      %dma_start3A_140 = arith.constant 120 : i32
      %dma_start3A_141 = arith.constant 0 : i32
      %dma_start3A_142 = tpu.memref_slice %arg4[%arg0, %arg1, %dma_start3A_140, %dma_start3A_141] : memref<2x16x160x64xi32, #tpu.memory_space<hbm>> -> memref<1x1x40x64xi32, #tpu.memory_space<hbm>>
      %dma_start3A_143 = tpu.memref_squeeze %dma_start3A_142 : memref<1x1x40x64xi32, #tpu.memory_space<hbm>> -> memref<40x64xi32, #tpu.memory_space<hbm>>
      tpu.enqueue_dma source(%dma_start3A_143 : memref<40x64xi32, #tpu.memory_space<hbm>>) target(%arg8 : memref<40x64xi32, #tpu.memory_space<vmem>>) target_semaphore(%run_scoped3A : memref<!tpu.dma_semaphore, #tpu.memory_space<semaphore_mem>>)
      %dma_wait3A = arith.constant 120 : i32
      %dma_wait3A_144 = arith.constant 0 : i32
      %dma_wait3A_145 = tpu.memref_slice %arg4[%arg0, %arg1, %dma_wait3A, %dma_wait3A_144] : memref<2x16x160x64xi32, #tpu.memory_space<hbm>> -> memref<1x1x40x64xi32, #tpu.memory_space<hbm>>
      %dma_wait3A_146 = tpu.memref_squeeze %dma_wait3A_145 : memref<1x1x40x64xi32, #tpu.memory_space<hbm>> -> memref<40x64xi32, #tpu.memory_space<hbm>>
      %dma_wait3A_147 = arith.constant 120 : i32
      %dma_wait3A_148 = arith.constant 0 : i32
      %dma_wait3A_149 = tpu.memref_slice %arg4[%arg0, %arg1, %dma_wait3A_147, %dma_wait3A_148] : memref<2x16x160x64xi32, #tpu.memory_space<hbm>> -> memref<1x1x40x64xi32, #tpu.memory_space<hbm>>
      %dma_wait3A_150 = tpu.memref_squeeze %dma_wait3A_149 : memref<1x1x40x64xi32, #tpu.memory_space<hbm>> -> memref<40x64xi32, #tpu.memory_space<hbm>>
      tpu.wait_dma2 semaphore(%run_scoped3A : memref<!tpu.dma_semaphore, #tpu.memory_space<semaphore_mem>>) src(%dma_wait3A_150 : memref<40x64xi32, #tpu.memory_space<hbm>>) dst(%arg8 : memref<40x64xi32, #tpu.memory_space<vmem>>)
      tpu.yield
    }) : () -> ()
    %dma_start3A_101 = arith.constant 0 : i32
    %dma_start3A_102 = arith.constant 0 : i32
    %dma_start3A_103 = tpu.memref_slice %arg7[%dma_start3A_101, %dma_start3A_102] : memref<40x64xi32, #tpu.memory_space<vmem>> -> memref<1x64xi32, #tpu.memory_space<vmem>>
    %dma_start3A_104 = tpu.memref_squeeze %dma_start3A_103 : memref<1x64xi32, #tpu.memory_space<vmem>> -> memref<64xi32, #tpu.memory_space<vmem>>
    %dma_start3A_105 = arith.constant 0 : i32
    %dma_start3A_106 = arith.constant 0 : i32
    %dma_start3A_107 = tpu.memref_slice %arg2[%dma_start3A_105, %dma_start3A_106] : memref<10000x128xf32, #tpu.memory_space<hbm>> -> memref<10000x128xf32, #tpu.memory_space<hbm>>
    tpu.enqueue_indirect_dma source(%dma_start3A_107 : memref<10000x128xf32, #tpu.memory_space<hbm>>) target(%arg9 : memref<64x128xf32, #tpu.memory_space<vmem>>) offsets(%dma_start3A_104 : memref<64xi32, #tpu.memory_space<vmem>>) semaphore(%arg13 : memref<!tpu.dma_semaphore, #tpu.memory_space<semaphore_mem>>)
    %dma_start3A_108 = arith.constant 1 : i32
    %dma_start3A_109 = arith.constant 0 : i32
    %dma_start3A_110 = tpu.memref_slice %arg7[%dma_start3A_108, %dma_start3A_109] : memref<40x64xi32, #tpu.memory_space<vmem>> -> memref<1x64xi32, #tpu.memory_space<vmem>>
    %dma_start3A_111 = tpu.memref_squeeze %dma_start3A_110 : memref<1x64xi32, #tpu.memory_space<vmem>> -> memref<64xi32, #tpu.memory_space<vmem>>
    %dma_start3A_112 = arith.constant 0 : i32
    %dma_start3A_113 = arith.constant 0 : i32
    %dma_start3A_114 = tpu.memref_slice %arg2[%dma_start3A_112, %dma_start3A_113] : memref<10000x128xf32, #tpu.memory_space<hbm>> -> memref<10000x128xf32, #tpu.memory_space<hbm>>
    tpu.enqueue_indirect_dma source(%dma_start3A_114 : memref<10000x128xf32, #tpu.memory_space<hbm>>) target(%arg10 : memref<64x128xf32, #tpu.memory_space<vmem>>) offsets(%dma_start3A_111 : memref<64xi32, #tpu.memory_space<vmem>>) semaphore(%arg14 : memref<!tpu.dma_semaphore, #tpu.memory_space<semaphore_mem>>)
    %dma_start3A_115 = arith.constant 2 : i32
    %dma_start3A_116 = arith.constant 0 : i32
    %dma_start3A_117 = tpu.memref_slice %arg7[%dma_start3A_115, %dma_start3A_116] : memref<40x64xi32, #tpu.memory_space<vmem>> -> memref<1x64xi32, #tpu.memory_space<vmem>>
    %dma_start3A_118 = tpu.memref_squeeze %dma_start3A_117 : memref<1x64xi32, #tpu.memory_space<vmem>> -> memref<64xi32, #tpu.memory_space<vmem>>
    %dma_start3A_119 = arith.constant 0 : i32
    %dma_start3A_120 = arith.constant 0 : i32
    %dma_start3A_121 = tpu.memref_slice %arg2[%dma_start3A_119, %dma_start3A_120] : memref<10000x128xf32, #tpu.memory_space<hbm>> -> memref<10000x128xf32, #tpu.memory_space<hbm>>
    tpu.enqueue_indirect_dma source(%dma_start3A_121 : memref<10000x128xf32, #tpu.memory_space<hbm>>) target(%arg11 : memref<64x128xf32, #tpu.memory_space<vmem>>) offsets(%dma_start3A_118 : memref<64xi32, #tpu.memory_space<vmem>>) semaphore(%arg15 : memref<!tpu.dma_semaphore, #tpu.memory_space<semaphore_mem>>)
    %dma_start3A_122 = arith.constant 3 : i32
    %dma_start3A_123 = arith.constant 0 : i32
    %dma_start3A_124 = tpu.memref_slice %arg7[%dma_start3A_122, %dma_start3A_123] : memref<40x64xi32, #tpu.memory_space<vmem>> -> memref<1x64xi32, #tpu.memory_space<vmem>>
    %dma_start3A_125 = tpu.memref_squeeze %dma_start3A_124 : memref<1x64xi32, #tpu.memory_space<vmem>> -> memref<64xi32, #tpu.memory_space<vmem>>
    %dma_start3A_126 = arith.constant 0 : i32
    %dma_start3A_127 = arith.constant 0 : i32
    %dma_start3A_128 = tpu.memref_slice %arg2[%dma_start3A_126, %dma_start3A_127] : memref<10000x128xf32, #tpu.memory_space<hbm>> -> memref<10000x128xf32, #tpu.memory_space<hbm>>
    tpu.enqueue_indirect_dma source(%dma_start3A_128 : memref<10000x128xf32, #tpu.memory_space<hbm>>) target(%arg12 : memref<64x128xf32, #tpu.memory_space<vmem>>) offsets(%dma_start3A_125 : memref<64xi32, #tpu.memory_space<vmem>>) semaphore(%arg16 : memref<!tpu.dma_semaphore, #tpu.memory_space<semaphore_mem>>)
    %scan3A_129 = arith.constant 0 : i32
    %scan3A_130 = arith.constant 0 : i32
    %scan3A_131 = arith.constant 10 : i32
    %scan3A_132 = arith.addi %scan3A_130, %scan3A_131 : i32
    %scan3A_133 = arith.constant 1 : i32
    scf.for %scan3A_136 = %scan3A_130 to %scan3A_132 step %scan3A_133  : i32 {
      %mul3A_137 = arith.constant 4 : i32
      %mul3A_138 = arith.muli %scan3A_136, %mul3A_137 : i32
      %add3A = arith.constant 0 : i32
      %add3A_139 = arith.addi %mul3A_138, %add3A : i32
      %dma_wait3A = arith.constant 0 : i32
      %dma_wait3A_140 = arith.constant 0 : i32
      %dma_wait3A_141 = tpu.memref_slice %arg5[%dma_wait3A, %dma_wait3A_140] : memref<10112x128xf32, #tpu.memory_space<hbm>> -> memref<64x128xf32, #tpu.memory_space<hbm>>
      %dma_wait3A_142 = arith.constant 0 : i32
      %dma_wait3A_143 = arith.constant 0 : i32
      %dma_wait3A_144 = tpu.memref_slice %arg5[%dma_wait3A_142, %dma_wait3A_143] : memref<10112x128xf32, #tpu.memory_space<hbm>> -> memref<64x128xf32, #tpu.memory_space<hbm>>
      tpu.wait_dma2 semaphore(%arg13 : memref<!tpu.dma_semaphore, #tpu.memory_space<semaphore_mem>>) src(%dma_wait3A_144 : memref<64x128xf32, #tpu.memory_space<hbm>>) dst(%arg9 : memref<64x128xf32, #tpu.memory_space<vmem>>)
      "tpu.region"() ({
        %run_scoped3A = tpu.sem_alloc : memref<!tpu.dma_semaphore, #tpu.memory_space<semaphore_mem>>
        %dma_start3A_200 = arith.constant 0 : i32
        %dma_start3A_201 = tpu.memref_slice %arg8[%add3A_139, %dma_start3A_200] : memref<40x64xi32, #tpu.memory_space<vmem>> -> memref<1x64xi32, #tpu.memory_space<vmem>>
        %dma_start3A_202 = tpu.memref_squeeze %dma_start3A_201 : memref<1x64xi32, #tpu.memory_space<vmem>> -> memref<64xi32, #tpu.memory_space<vmem>>
        %dma_start3A_203 = arith.constant 0 : i32
        %dma_start3A_204 = arith.constant 0 : i32
        %dma_start3A_205 = tpu.memref_slice %arg17[%dma_start3A_203, %dma_start3A_204] : memref<10112x128xf32, #tpu.memory_space<vmem_shared>> -> memref<10112x128xf32, #tpu.memory_space<vmem_shared>>
        tpu.enqueue_indirect_dma source(%arg9 : memref<64x128xf32, #tpu.memory_space<vmem>>) target(%dma_start3A_205 : memref<10112x128xf32, #tpu.memory_space<vmem_shared>>) offsets(%dma_start3A_202 : memref<64xi32, #tpu.memory_space<vmem>>) semaphore(%run_scoped3A : memref<!tpu.dma_semaphore, #tpu.memory_space<semaphore_mem>>) {add = true}
        %dma_wait3A_206 = arith.constant 0 : i32
        %dma_wait3A_207 = tpu.memref_slice %arg8[%add3A_139, %dma_wait3A_206] : memref<40x64xi32, #tpu.memory_space<vmem>> -> memref<1x64xi32, #tpu.memory_space<vmem>>
        %dma_wait3A_208 = tpu.memref_squeeze %dma_wait3A_207 : memref<1x64xi32, #tpu.memory_space<vmem>> -> memref<64xi32, #tpu.memory_space<vmem>>
        %dma_wait3A_209 = arith.constant 0 : i32
        %dma_wait3A_210 = arith.constant 0 : i32
        %dma_wait3A_211 = tpu.memref_slice %arg17[%dma_wait3A_209, %dma_wait3A_210] : memref<10112x128xf32, #tpu.memory_space<vmem_shared>> -> memref<10112x128xf32, #tpu.memory_space<vmem_shared>>
        tpu.wait_indirect_dma semaphore(%run_scoped3A : memref<!tpu.dma_semaphore, #tpu.memory_space<semaphore_mem>>) src(%arg9 : memref<64x128xf32, #tpu.memory_space<vmem>>) dst(%dma_wait3A_211 : memref<10112x128xf32, #tpu.memory_space<vmem_shared>>)
        tpu.yield
      }) : () -> ()
      %add3A_145 = arith.constant 4 : i32
      %add3A_146 = arith.addi %add3A_139, %add3A_145 : i32
      %lt3A = arith.constant 40 : i32
      %lt3A_147 = arith.cmpi slt, %add3A_146, %lt3A : i32
      %convert_element_type3A = arith.extui %lt3A_147 : i1 to i32
      %cond3A = arith.constant 0 : i32
      %cond3A_148 = arith.cmpi ne, %convert_element_type3A, %cond3A : i32
      scf.if %cond3A_148 {
        %add3A_200 = arith.constant 4 : i32
        %add3A_201 = arith.addi %add3A_139, %add3A_200 : i32
        %dma_start3A_202 = arith.constant 0 : i32
        %dma_start3A_203 = tpu.memref_slice %arg7[%add3A_201, %dma_start3A_202] : memref<40x64xi32, #tpu.memory_space<vmem>> -> memref<1x64xi32, #tpu.memory_space<vmem>>
        %dma_start3A_204 = tpu.memref_squeeze %dma_start3A_203 : memref<1x64xi32, #tpu.memory_space<vmem>> -> memref<64xi32, #tpu.memory_space<vmem>>
        %dma_start3A_205 = arith.constant 0 : i32
        %dma_start3A_206 = arith.constant 0 : i32
        %dma_start3A_207 = tpu.memref_slice %arg2[%dma_start3A_205, %dma_start3A_206] : memref<10000x128xf32, #tpu.memory_space<hbm>> -> memref<10000x128xf32, #tpu.memory_space<hbm>>
        tpu.enqueue_indirect_dma source(%dma_start3A_207 : memref<10000x128xf32, #tpu.memory_space<hbm>>) target(%arg9 : memref<64x128xf32, #tpu.memory_space<vmem>>) offsets(%dma_start3A_204 : memref<64xi32, #tpu.memory_space<vmem>>) semaphore(%arg13 : memref<!tpu.dma_semaphore, #tpu.memory_space<semaphore_mem>>)
      } else {
      }
      %mul3A_149 = arith.constant 4 : i32
      %mul3A_150 = arith.muli %scan3A_136, %mul3A_149 : i32
      %add3A_151 = arith.constant 1 : i32
      %add3A_152 = arith.addi %mul3A_150, %add3A_151 : i32
      %dma_wait3A_153 = arith.constant 0 : i32
      %dma_wait3A_154 = arith.constant 0 : i32
      %dma_wait3A_155 = tpu.memref_slice %arg5[%dma_wait3A_153, %dma_wait3A_154] : memref<10112x128xf32, #tpu.memory_space<hbm>> -> memref<64x128xf32, #tpu.memory_space<hbm>>
      %dma_wait3A_156 = arith.constant 0 : i32
      %dma_wait3A_157 = arith.constant 0 : i32
      %dma_wait3A_158 = tpu.memref_slice %arg5[%dma_wait3A_156, %dma_wait3A_157] : memref<10112x128xf32, #tpu.memory_space<hbm>> -> memref<64x128xf32, #tpu.memory_space<hbm>>
      tpu.wait_dma2 semaphore(%arg14 : memref<!tpu.dma_semaphore, #tpu.memory_space<semaphore_mem>>) src(%dma_wait3A_158 : memref<64x128xf32, #tpu.memory_space<hbm>>) dst(%arg10 : memref<64x128xf32, #tpu.memory_space<vmem>>)
      "tpu.region"() ({
        %run_scoped3A = tpu.sem_alloc : memref<!tpu.dma_semaphore, #tpu.memory_space<semaphore_mem>>
        %dma_start3A_200 = arith.constant 0 : i32
        %dma_start3A_201 = tpu.memref_slice %arg8[%add3A_152, %dma_start3A_200] : memref<40x64xi32, #tpu.memory_space<vmem>> -> memref<1x64xi32, #tpu.memory_space<vmem>>
        %dma_start3A_202 = tpu.memref_squeeze %dma_start3A_201 : memref<1x64xi32, #tpu.memory_space<vmem>> -> memref<64xi32, #tpu.memory_space<vmem>>
        %dma_start3A_203 = arith.constant 0 : i32
        %dma_start3A_204 = arith.constant 0 : i32
        %dma_start3A_205 = tpu.memref_slice %arg17[%dma_start3A_203, %dma_start3A_204] : memref<10112x128xf32, #tpu.memory_space<vmem_shared>> -> memref<10112x128xf32, #tpu.memory_space<vmem_shared>>
        tpu.enqueue_indirect_dma source(%arg10 : memref<64x128xf32, #tpu.memory_space<vmem>>) target(%dma_start3A_205 : memref<10112x128xf32, #tpu.memory_space<vmem_shared>>) offsets(%dma_start3A_202 : memref<64xi32, #tpu.memory_space<vmem>>) semaphore(%run_scoped3A : memref<!tpu.dma_semaphore, #tpu.memory_space<semaphore_mem>>) {add = true}
        %dma_wait3A_206 = arith.constant 0 : i32
        %dma_wait3A_207 = tpu.memref_slice %arg8[%add3A_152, %dma_wait3A_206] : memref<40x64xi32, #tpu.memory_space<vmem>> -> memref<1x64xi32, #tpu.memory_space<vmem>>
        %dma_wait3A_208 = tpu.memref_squeeze %dma_wait3A_207 : memref<1x64xi32, #tpu.memory_space<vmem>> -> memref<64xi32, #tpu.memory_space<vmem>>
        %dma_wait3A_209 = arith.constant 0 : i32
        %dma_wait3A_210 = arith.constant 0 : i32
        %dma_wait3A_211 = tpu.memref_slice %arg17[%dma_wait3A_209, %dma_wait3A_210] : memref<10112x128xf32, #tpu.memory_space<vmem_shared>> -> memref<10112x128xf32, #tpu.memory_space<vmem_shared>>
        tpu.wait_indirect_dma semaphore(%run_scoped3A : memref<!tpu.dma_semaphore, #tpu.memory_space<semaphore_mem>>) src(%arg10 : memref<64x128xf32, #tpu.memory_space<vmem>>) dst(%dma_wait3A_211 : memref<10112x128xf32, #tpu.memory_space<vmem_shared>>)
        tpu.yield
      }) : () -> ()
      %add3A_159 = arith.constant 4 : i32
      %add3A_160 = arith.addi %add3A_152, %add3A_159 : i32
      %lt3A_161 = arith.constant 40 : i32
      %lt3A_162 = arith.cmpi slt, %add3A_160, %lt3A_161 : i32
      %convert_element_type3A_163 = arith.extui %lt3A_162 : i1 to i32
      %cond3A_164 = arith.constant 0 : i32
      %cond3A_165 = arith.cmpi ne, %convert_element_type3A_163, %cond3A_164 : i32
      scf.if %cond3A_165 {
        %add3A_200 = arith.constant 4 : i32
        %add3A_201 = arith.addi %add3A_152, %add3A_200 : i32
        %dma_start3A_202 = arith.constant 0 : i32
        %dma_start3A_203 = tpu.memref_slice %arg7[%add3A_201, %dma_start3A_202] : memref<40x64xi32, #tpu.memory_space<vmem>> -> memref<1x64xi32, #tpu.memory_space<vmem>>
        %dma_start3A_204 = tpu.memref_squeeze %dma_start3A_203 : memref<1x64xi32, #tpu.memory_space<vmem>> -> memref<64xi32, #tpu.memory_space<vmem>>
        %dma_start3A_205 = arith.constant 0 : i32
        %dma_start3A_206 = arith.constant 0 : i32
        %dma_start3A_207 = tpu.memref_slice %arg2[%dma_start3A_205, %dma_start3A_206] : memref<10000x128xf32, #tpu.memory_space<hbm>> -> memref<10000x128xf32, #tpu.memory_space<hbm>>
        tpu.enqueue_indirect_dma source(%dma_start3A_207 : memref<10000x128xf32, #tpu.memory_space<hbm>>) target(%arg10 : memref<64x128xf32, #tpu.memory_space<vmem>>) offsets(%dma_start3A_204 : memref<64xi32, #tpu.memory_space<vmem>>) semaphore(%arg14 : memref<!tpu.dma_semaphore, #tpu.memory_space<semaphore_mem>>)
      } else {
      }
      %mul3A_166 = arith.constant 4 : i32
      %mul3A_167 = arith.muli %scan3A_136, %mul3A_166 : i32
      %add3A_168 = arith.constant 2 : i32
      %add3A_169 = arith.addi %mul3A_167, %add3A_168 : i32
      %dma_wait3A_170 = arith.constant 0 : i32
      %dma_wait3A_171 = arith.constant 0 : i32
      %dma_wait3A_172 = tpu.memref_slice %arg5[%dma_wait3A_170, %dma_wait3A_171] : memref<10112x128xf32, #tpu.memory_space<hbm>> -> memref<64x128xf32, #tpu.memory_space<hbm>>
      %dma_wait3A_173 = arith.constant 0 : i32
      %dma_wait3A_174 = arith.constant 0 : i32
      %dma_wait3A_175 = tpu.memref_slice %arg5[%dma_wait3A_173, %dma_wait3A_174] : memref<10112x128xf32, #tpu.memory_space<hbm>> -> memref<64x128xf32, #tpu.memory_space<hbm>>
      tpu.wait_dma2 semaphore(%arg15 : memref<!tpu.dma_semaphore, #tpu.memory_space<semaphore_mem>>) src(%dma_wait3A_175 : memref<64x128xf32, #tpu.memory_space<hbm>>) dst(%arg11 : memref<64x128xf32, #tpu.memory_space<vmem>>)
      "tpu.region"() ({
        %run_scoped3A = tpu.sem_alloc : memref<!tpu.dma_semaphore, #tpu.memory_space<semaphore_mem>>
        %dma_start3A_200 = arith.constant 0 : i32
        %dma_start3A_201 = tpu.memref_slice %arg8[%add3A_169, %dma_start3A_200] : memref<40x64xi32, #tpu.memory_space<vmem>> -> memref<1x64xi32, #tpu.memory_space<vmem>>
        %dma_start3A_202 = tpu.memref_squeeze %dma_start3A_201 : memref<1x64xi32, #tpu.memory_space<vmem>> -> memref<64xi32, #tpu.memory_space<vmem>>
        %dma_start3A_203 = arith.constant 0 : i32
        %dma_start3A_204 = arith.constant 0 : i32
        %dma_start3A_205 = tpu.memref_slice %arg17[%dma_start3A_203, %dma_start3A_204] : memref<10112x128xf32, #tpu.memory_space<vmem_shared>> -> memref<10112x128xf32, #tpu.memory_space<vmem_shared>>
        tpu.enqueue_indirect_dma source(%arg11 : memref<64x128xf32, #tpu.memory_space<vmem>>) target(%dma_start3A_205 : memref<10112x128xf32, #tpu.memory_space<vmem_shared>>) offsets(%dma_start3A_202 : memref<64xi32, #tpu.memory_space<vmem>>) semaphore(%run_scoped3A : memref<!tpu.dma_semaphore, #tpu.memory_space<semaphore_mem>>) {add = true}
        %dma_wait3A_206 = arith.constant 0 : i32
        %dma_wait3A_207 = tpu.memref_slice %arg8[%add3A_169, %dma_wait3A_206] : memref<40x64xi32, #tpu.memory_space<vmem>> -> memref<1x64xi32, #tpu.memory_space<vmem>>
        %dma_wait3A_208 = tpu.memref_squeeze %dma_wait3A_207 : memref<1x64xi32, #tpu.memory_space<vmem>> -> memref<64xi32, #tpu.memory_space<vmem>>
        %dma_wait3A_209 = arith.constant 0 : i32
        %dma_wait3A_210 = arith.constant 0 : i32
        %dma_wait3A_211 = tpu.memref_slice %arg17[%dma_wait3A_209, %dma_wait3A_210] : memref<10112x128xf32, #tpu.memory_space<vmem_shared>> -> memref<10112x128xf32, #tpu.memory_space<vmem_shared>>
        tpu.wait_indirect_dma semaphore(%run_scoped3A : memref<!tpu.dma_semaphore, #tpu.memory_space<semaphore_mem>>) src(%arg11 : memref<64x128xf32, #tpu.memory_space<vmem>>) dst(%dma_wait3A_211 : memref<10112x128xf32, #tpu.memory_space<vmem_shared>>)
        tpu.yield
      }) : () -> ()
      %add3A_176 = arith.constant 4 : i32
      %add3A_177 = arith.addi %add3A_169, %add3A_176 : i32
      %lt3A_178 = arith.constant 40 : i32
      %lt3A_179 = arith.cmpi slt, %add3A_177, %lt3A_178 : i32
      %convert_element_type3A_180 = arith.extui %lt3A_179 : i1 to i32
      %cond3A_181 = arith.constant 0 : i32
      %cond3A_182 = arith.cmpi ne, %convert_element_type3A_180, %cond3A_181 : i32
      scf.if %cond3A_182 {
        %add3A_200 = arith.constant 4 : i32
        %add3A_201 = arith.addi %add3A_169, %add3A_200 : i32
        %dma_start3A_202 = arith.constant 0 : i32
        %dma_start3A_203 = tpu.memref_slice %arg7[%add3A_201, %dma_start3A_202] : memref<40x64xi32, #tpu.memory_space<vmem>> -> memref<1x64xi32, #tpu.memory_space<vmem>>
        %dma_start3A_204 = tpu.memref_squeeze %dma_start3A_203 : memref<1x64xi32, #tpu.memory_space<vmem>> -> memref<64xi32, #tpu.memory_space<vmem>>
        %dma_start3A_205 = arith.constant 0 : i32
        %dma_start3A_206 = arith.constant 0 : i32
        %dma_start3A_207 = tpu.memref_slice %arg2[%dma_start3A_205, %dma_start3A_206] : memref<10000x128xf32, #tpu.memory_space<hbm>> -> memref<10000x128xf32, #tpu.memory_space<hbm>>
        tpu.enqueue_indirect_dma source(%dma_start3A_207 : memref<10000x128xf32, #tpu.memory_space<hbm>>) target(%arg11 : memref<64x128xf32, #tpu.memory_space<vmem>>) offsets(%dma_start3A_204 : memref<64xi32, #tpu.memory_space<vmem>>) semaphore(%arg15 : memref<!tpu.dma_semaphore, #tpu.memory_space<semaphore_mem>>)
      } else {
      }
      %mul3A_183 = arith.constant 4 : i32
      %mul3A_184 = arith.muli %scan3A_136, %mul3A_183 : i32
      %add3A_185 = arith.constant 3 : i32
      %add3A_186 = arith.addi %mul3A_184, %add3A_185 : i32
      %dma_wait3A_187 = arith.constant 0 : i32
      %dma_wait3A_188 = arith.constant 0 : i32
      %dma_wait3A_189 = tpu.memref_slice %arg5[%dma_wait3A_187, %dma_wait3A_188] : memref<10112x128xf32, #tpu.memory_space<hbm>> -> memref<64x128xf32, #tpu.memory_space<hbm>>
      %dma_wait3A_190 = arith.constant 0 : i32
      %dma_wait3A_191 = arith.constant 0 : i32
      %dma_wait3A_192 = tpu.memref_slice %arg5[%dma_wait3A_190, %dma_wait3A_191] : memref<10112x128xf32, #tpu.memory_space<hbm>> -> memref<64x128xf32, #tpu.memory_space<hbm>>
      tpu.wait_dma2 semaphore(%arg16 : memref<!tpu.dma_semaphore, #tpu.memory_space<semaphore_mem>>) src(%dma_wait3A_192 : memref<64x128xf32, #tpu.memory_space<hbm>>) dst(%arg12 : memref<64x128xf32, #tpu.memory_space<vmem>>)
      "tpu.region"() ({
        %run_scoped3A = tpu.sem_alloc : memref<!tpu.dma_semaphore, #tpu.memory_space<semaphore_mem>>
        %dma_start3A_200 = arith.constant 0 : i32
        %dma_start3A_201 = tpu.memref_slice %arg8[%add3A_186, %dma_start3A_200] : memref<40x64xi32, #tpu.memory_space<vmem>> -> memref<1x64xi32, #tpu.memory_space<vmem>>
        %dma_start3A_202 = tpu.memref_squeeze %dma_start3A_201 : memref<1x64xi32, #tpu.memory_space<vmem>> -> memref<64xi32, #tpu.memory_space<vmem>>
        %dma_start3A_203 = arith.constant 0 : i32
        %dma_start3A_204 = arith.constant 0 : i32
        %dma_start3A_205 = tpu.memref_slice %arg17[%dma_start3A_203, %dma_start3A_204] : memref<10112x128xf32, #tpu.memory_space<vmem_shared>> -> memref<10112x128xf32, #tpu.memory_space<vmem_shared>>
        tpu.enqueue_indirect_dma source(%arg12 : memref<64x128xf32, #tpu.memory_space<vmem>>) target(%dma_start3A_205 : memref<10112x128xf32, #tpu.memory_space<vmem_shared>>) offsets(%dma_start3A_202 : memref<64xi32, #tpu.memory_space<vmem>>) semaphore(%run_scoped3A : memref<!tpu.dma_semaphore, #tpu.memory_space<semaphore_mem>>) {add = true}
        %dma_wait3A_206 = arith.constant 0 : i32
        %dma_wait3A_207 = tpu.memref_slice %arg8[%add3A_186, %dma_wait3A_206] : memref<40x64xi32, #tpu.memory_space<vmem>> -> memref<1x64xi32, #tpu.memory_space<vmem>>
        %dma_wait3A_208 = tpu.memref_squeeze %dma_wait3A_207 : memref<1x64xi32, #tpu.memory_space<vmem>> -> memref<64xi32, #tpu.memory_space<vmem>>
        %dma_wait3A_209 = arith.constant 0 : i32
        %dma_wait3A_210 = arith.constant 0 : i32
        %dma_wait3A_211 = tpu.memref_slice %arg17[%dma_wait3A_209, %dma_wait3A_210] : memref<10112x128xf32, #tpu.memory_space<vmem_shared>> -> memref<10112x128xf32, #tpu.memory_space<vmem_shared>>
        tpu.wait_indirect_dma semaphore(%run_scoped3A : memref<!tpu.dma_semaphore, #tpu.memory_space<semaphore_mem>>) src(%arg12 : memref<64x128xf32, #tpu.memory_space<vmem>>) dst(%dma_wait3A_211 : memref<10112x128xf32, #tpu.memory_space<vmem_shared>>)
        tpu.yield
      }) : () -> ()
      %add3A_193 = arith.constant 4 : i32
      %add3A_194 = arith.addi %add3A_186, %add3A_193 : i32
      %lt3A_195 = arith.constant 40 : i32
      %lt3A_196 = arith.cmpi slt, %add3A_194, %lt3A_195 : i32
      %convert_element_type3A_197 = arith.extui %lt3A_196 : i1 to i32
      %cond3A_198 = arith.constant 0 : i32
      %cond3A_199 = arith.cmpi ne, %convert_element_type3A_197, %cond3A_198 : i32
      scf.if %cond3A_199 {
        %add3A_200 = arith.constant 4 : i32
        %add3A_201 = arith.addi %add3A_186, %add3A_200 : i32
        %dma_start3A_202 = arith.constant 0 : i32
        %dma_start3A_203 = tpu.memref_slice %arg7[%add3A_201, %dma_start3A_202] : memref<40x64xi32, #tpu.memory_space<vmem>> -> memref<1x64xi32, #tpu.memory_space<vmem>>
        %dma_start3A_204 = tpu.memref_squeeze %dma_start3A_203 : memref<1x64xi32, #tpu.memory_space<vmem>> -> memref<64xi32, #tpu.memory_space<vmem>>
        %dma_start3A_205 = arith.constant 0 : i32
        %dma_start3A_206 = arith.constant 0 : i32
        %dma_start3A_207 = tpu.memref_slice %arg2[%dma_start3A_205, %dma_start3A_206] : memref<10000x128xf32, #tpu.memory_space<hbm>> -> memref<10000x128xf32, #tpu.memory_space<hbm>>
        tpu.enqueue_indirect_dma source(%dma_start3A_207 : memref<10000x128xf32, #tpu.memory_space<hbm>>) target(%arg12 : memref<64x128xf32, #tpu.memory_space<vmem>>) offsets(%dma_start3A_204 : memref<64xi32, #tpu.memory_space<vmem>>) semaphore(%arg16 : memref<!tpu.dma_semaphore, #tpu.memory_space<semaphore_mem>>)
      } else {
      }
    }
    %scan3A_134 = arith.constant 10 : i32
    %barrier3A_135 = arith.constant 0 : index
    tpu.barrier barrier_id(%barrier3A_135)
    "tpu.trace_stop"() : () -> ()
    "tpu.trace_start"() <{level = 10 : i32, message = "outcpy"}> : () -> ()
    "tpu.region"() ({
      %run_scoped3A = tpu.sem_alloc : memref<!tpu.dma_semaphore, #tpu.memory_space<semaphore_mem>>
      %dma_start3A_136 = arith.constant 0 : i32
      %dma_start3A_137 = tpu.memref_slice %arg6[%arg0, %mul3A_0, %dma_start3A_136] : memref<2x10112x128xf32, #tpu.memory_space<hbm>> -> memref<1x632x128xf32, #tpu.memory_space<hbm>>
      %dma_start3A_138 = tpu.memref_squeeze %dma_start3A_137 : memref<1x632x128xf32, #tpu.memory_space<hbm>> -> memref<632x128xf32, #tpu.memory_space<hbm>>
      %dma_start3A_139 = arith.constant 0 : i32
      %dma_start3A_140 = tpu.memref_slice %arg17[%mul3A_0, %dma_start3A_139] : memref<10112x128xf32, #tpu.memory_space<vmem_shared>> -> memref<632x128xf32, #tpu.memory_space<vmem_shared>>
      tpu.enqueue_dma source(%dma_start3A_140 : memref<632x128xf32, #tpu.memory_space<vmem_shared>>) target(%dma_start3A_138 : memref<632x128xf32, #tpu.memory_space<hbm>>) target_semaphore(%run_scoped3A : memref<!tpu.dma_semaphore, #tpu.memory_space<semaphore_mem>>)
      %dma_wait3A = arith.constant 0 : i32
      %dma_wait3A_141 = tpu.memref_slice %arg6[%arg0, %mul3A_0, %dma_wait3A] : memref<2x10112x128xf32, #tpu.memory_space<hbm>> -> memref<1x632x128xf32, #tpu.memory_space<hbm>>
      %dma_wait3A_142 = tpu.memref_squeeze %dma_wait3A_141 : memref<1x632x128xf32, #tpu.memory_space<hbm>> -> memref<632x128xf32, #tpu.memory_space<hbm>>
      %dma_wait3A_143 = arith.constant 0 : i32
      %dma_wait3A_144 = tpu.memref_slice %arg17[%mul3A_0, %dma_wait3A_143] : memref<10112x128xf32, #tpu.memory_space<vmem_shared>> -> memref<632x128xf32, #tpu.memory_space<vmem_shared>>
      tpu.wait_dma2 semaphore(%run_scoped3A : memref<!tpu.dma_semaphore, #tpu.memory_space<semaphore_mem>>) src(%dma_wait3A_144 : memref<632x128xf32, #tpu.memory_space<vmem_shared>>) dst(%dma_wait3A_142 : memref<632x128xf32, #tpu.memory_space<hbm>>)
      tpu.yield
    }) : () -> ()
    "tpu.trace_stop"() : () -> ()
    return
  }
}

module attributes {stable_mosaic.version = 14 : i64} {
  func.func @_tc_dense_body(%arg0: i32, %arg1: memref<5000x128xf32, #tpu.memory_space<vmem>>, %arg2: memref<5000x128xf32, #tpu.memory_space<vmem>>, %arg3: memref<5000x128xf32, #tpu.memory_space<vmem>>, %arg4: memref<1x1x5000xi32, #tpu.memory_space<vmem>>, %arg5: memref<128x128xf32, #tpu.memory_space<vmem>>, %arg6: memref<128x128xf32, #tpu.memory_space<vmem>>, %arg7: memref<128x128xf32, #tpu.memory_space<vmem>>, %arg8: memref<1x1xf32, #tpu.memory_space<smem>>, %arg9: memref<64x128xf32, #tpu.memory_space<vmem>>, %arg10: memref<64x128xf32, #tpu.memory_space<vmem>>, %arg11: memref<128x128xf32, #tpu.memory_space<vmem>>) attributes {dimension_semantics = [#tpu.dimension_semantics<arbitrary>], iteration_bounds = array<i64: 2>, scalar_prefetch = 0 : i64, scratch_operands = 2 : i64, tpu.core_type = #tpu.core_type<tc>, window_params = [{transform_indices = @transform_0, window_bounds = array<i64: 5000, 128>}, {transform_indices = @transform_1, window_bounds = array<i64: 5000, 128>}, {transform_indices = @transform_2, window_bounds = array<i64: 5000, 128>}, {transform_indices = @transform_3, window_bounds = array<i64: 1, 1, 5000>}, {pipeline_mode = #tpu.pipeline_mode<synchronous>, transform_indices = @transform_4, window_bounds = array<i64: 128, 128>}, {pipeline_mode = #tpu.pipeline_mode<synchronous>, transform_indices = @transform_5, window_bounds = array<i64: 128, 128>}, {pipeline_mode = #tpu.pipeline_mode<synchronous>, transform_indices = @transform_6, window_bounds = array<i64: 128, 128>}, {transform_indices = @transform_7, window_bounds = array<i64: 1, 1>}, {pipeline_mode = #tpu.pipeline_mode<synchronous>, transform_indices = @transform_8, window_bounds = array<i64: 64, 128>}]} {
    %eq3A = arith.constant 0 : i32
    %eq3A_0 = arith.cmpi eq, %arg0, %eq3A : i32
    %convert_element_type3A = arith.extui %eq3A_0 : i1 to i32
    %cond3A = arith.constant 0 : i32
    %cond3A_1 = arith.cmpi ne, %convert_element_type3A, %cond3A : i32
    scf.if %cond3A_1 {
      %broadcast_in_dim3A_39 = arith.constant 0.000000e+00 : f32
      %broadcast_in_dim3A_40 = vector.broadcast %broadcast_in_dim3A_39 : f32 to vector<64x128xf32>
      %swap3A_41 = arith.constant 0 : index
      %swap3A_42 = arith.constant 0 : index
      %swap3A_43 = vector.load %arg10[%swap3A_41, %swap3A_42] : memref<64x128xf32, #tpu.memory_space<vmem>>, vector<64x128xf32>
      tpu.vector_store %arg10[%swap3A_41, %swap3A_42], %broadcast_in_dim3A_40 {strides = array<i32>} : memref<64x128xf32, #tpu.memory_space<vmem>>, vector<64x128xf32>,
      %get3A_44 = arith.constant 0 : index
      %get3A_45 = arith.constant 0 : index
      %get3A_46 = vector.load %arg5[%get3A_44, %get3A_45] : memref<128x128xf32, #tpu.memory_space<vmem>>, vector<128x128xf32>
      %get3A_47 = arith.constant 0 : index
      %get3A_48 = arith.constant 0 : index
      %get3A_49 = vector.load %arg6[%get3A_47, %get3A_48] : memref<128x128xf32, #tpu.memory_space<vmem>>, vector<128x128xf32>
      %dot_general3A_50 = arith.constant dense<0.000000e+00> : vector<128x128xf32>
      %dot_general3A_51 = tpu.matmul %get3A_46, %get3A_49, %dot_general3A_50 {dimension_numbers = #tpu.dot_dimension_numbers<[1], [0], [0], [1], [0, 0, 1, 1], [], []>, precision = #tpu.contract_precision<fp32>, transpose_lhs_hint = false} : vector<128x128xf32>, vector<128x128xf32>, vector<128x128xf32> -> vector<128x128xf32>
      %swap3A_52 = arith.constant 0 : index
      %swap3A_53 = arith.constant 0 : index
      %swap3A_54 = vector.load %arg11[%swap3A_52, %swap3A_53] : memref<128x128xf32, #tpu.memory_space<vmem>>, vector<128x128xf32>
      tpu.vector_store %arg11[%swap3A_52, %swap3A_53], %dot_general3A_51 {strides = array<i32>} : memref<128x128xf32, #tpu.memory_space<vmem>>, vector<128x128xf32>,
    } else {
    }
    %get3A = arith.constant 0 : index
    %get3A_2 = arith.constant 0 : index
    %get3A_3 = vector.load %arg1[%get3A, %get3A_2] : memref<5000x128xf32, #tpu.memory_space<vmem>>, vector<5000x128xf32>
    %get3A_4 = arith.constant 0 : index
    %get3A_5 = arith.constant 0 : index
    %get3A_6 = vector.load %arg2[%get3A_4, %get3A_5] : memref<5000x128xf32, #tpu.memory_space<vmem>>, vector<5000x128xf32>
    %add3A = arith.addf %get3A_3, %get3A_6 : vector<5000x128xf32>
    %get3A_7 = arith.constant 0 : index
    %get3A_8 = arith.constant 0 : index
    %get3A_9 = vector.load %arg11[%get3A_7, %get3A_8] : memref<128x128xf32, #tpu.memory_space<vmem>>, vector<128x128xf32>
    %dot_general3A = arith.constant dense<0.000000e+00> : vector<5000x128xf32>
    %dot_general3A_10 = tpu.matmul %add3A, %get3A_9, %dot_general3A {dimension_numbers = #tpu.dot_dimension_numbers<[1], [0], [0], [1], [0, 0, 1, 1], [], []>, precision = #tpu.contract_precision<fp32>, transpose_lhs_hint = false} : vector<5000x128xf32>, vector<128x128xf32>, vector<5000x128xf32> -> vector<5000x128xf32>
    %get3A_11 = arith.constant 0 : index
    %get3A_12 = arith.constant 0 : index
    %get3A_13 = vector.load %arg3[%get3A_11, %get3A_12] : memref<5000x128xf32, #tpu.memory_space<vmem>>, vector<5000x128xf32>
    %add3A_14 = arith.addf %dot_general3A_10, %get3A_13 : vector<5000x128xf32>
    %max3A = arith.constant 0.000000e+00 : f32
    %max3A_15 = vector.broadcast %max3A : f32 to vector<5000x128xf32>
    %max3A_16 = arith.maximumf %add3A_14, %max3A_15 : vector<5000x128xf32>
    %get3A_17 = arith.constant 0 : index
    %get3A_18 = arith.constant 0 : index
    %get3A_19 = arith.constant 0 : index
    %get3A_20 = vector.load %arg4[%get3A_17, %get3A_18, %get3A_19] : memref<1x1x5000xi32, #tpu.memory_space<vmem>>, vector<1x1x5000xi32>
    %get3A_21 = vector.shape_cast %get3A_20 : vector<1x1x5000xi32> to vector<5000xi32>
    %iota3A = tpu.iota {dimensions = array<i32: 0>} : vector<64x5000xi32>
    %broadcast_in_dim3A = vector.shape_cast %get3A_21 : vector<5000xi32> to vector<1x5000xi32>
    %eq3A_22 = vector.broadcast %broadcast_in_dim3A : vector<1x5000xi32> to vector<64x5000xi32>
    %eq3A_23 = arith.cmpi eq, %iota3A, %eq3A_22 : vector<64x5000xi32>
    %convert_element_type3A_24 = arith.extui %eq3A_23 : vector<64x5000xi1> to vector<64x5000xi32>
    %convert_element_type3A_25 = arith.sitofp %convert_element_type3A_24 : vector<64x5000xi32> to vector<64x5000xf32>
    %get3A_26 = arith.constant 0 : index
    %get3A_27 = arith.constant 0 : index
    %get3A_28 = vector.load %arg10[%get3A_26, %get3A_27] : memref<64x128xf32, #tpu.memory_space<vmem>>, vector<64x128xf32>
    %dot_general3A_29 = arith.constant dense<0.000000e+00> : vector<64x128xf32>
    %dot_general3A_30 = tpu.matmul %convert_element_type3A_25, %max3A_16, %dot_general3A_29 {dimension_numbers = #tpu.dot_dimension_numbers<[1], [0], [0], [1], [0, 0, 1, 1], [], []>, precision = #tpu.contract_precision<fp32>, transpose_lhs_hint = false} : vector<64x5000xf32>, vector<5000x128xf32>, vector<64x128xf32> -> vector<64x128xf32>
    %add3A_31 = arith.addf %get3A_28, %dot_general3A_30 : vector<64x128xf32>
    %swap3A = arith.constant 0 : index
    %swap3A_32 = arith.constant 0 : index
    %swap3A_33 = vector.load %arg10[%swap3A, %swap3A_32] : memref<64x128xf32, #tpu.memory_space<vmem>>, vector<64x128xf32>
    tpu.vector_store %arg10[%swap3A, %swap3A_32], %add3A_31 {strides = array<i32>} : memref<64x128xf32, #tpu.memory_space<vmem>>, vector<64x128xf32>,
    %eq3A_34 = arith.constant 1 : i32
    %eq3A_35 = arith.cmpi eq, %arg0, %eq3A_34 : i32
    %convert_element_type3A_36 = arith.extui %eq3A_35 : i1 to i32
    %cond3A_37 = arith.constant 0 : i32
    %cond3A_38 = arith.cmpi ne, %convert_element_type3A_36, %cond3A_37 : i32
    scf.if %cond3A_38 {
      %get3A_39 = arith.constant 0 : index
      %get3A_40 = arith.constant 0 : index
      %get3A_41 = vector.load %arg10[%get3A_39, %get3A_40] : memref<64x128xf32, #tpu.memory_space<vmem>>, vector<64x128xf32>
      %get3A_42 = arith.constant 0 : index
      %get3A_43 = arith.constant 0 : index
      %get3A_44 = vector.load %arg7[%get3A_42, %get3A_43] : memref<128x128xf32, #tpu.memory_space<vmem>>, vector<128x128xf32>
      %dot_general3A_45 = arith.constant dense<0.000000e+00> : vector<64x128xf32>
      %dot_general3A_46 = tpu.matmul %get3A_41, %get3A_44, %dot_general3A_45 {dimension_numbers = #tpu.dot_dimension_numbers<[1], [0], [0], [1], [0, 0, 1, 1], [], []>, precision = #tpu.contract_precision<fp32>, transpose_lhs_hint = false} : vector<64x128xf32>, vector<128x128xf32>, vector<64x128xf32> -> vector<64x128xf32>
      %get3A_47 = arith.constant 0 : index
      %get3A_48 = arith.constant 0 : index
      %get3A_49 = memref.load %arg8[%get3A_47, %get3A_48] : memref<1x1xf32, #tpu.memory_space<smem>>
      %add3A_50 = vector.broadcast %get3A_49 : f32 to vector<64x128xf32>
      %add3A_51 = arith.addf %dot_general3A_46, %add3A_50 : vector<64x128xf32>
      %logistic3A = arith.negf %add3A_51 : vector<64x128xf32>
      %logistic3A_52 = math.exp %logistic3A : vector<64x128xf32>
      %logistic3A_53 = arith.constant 1.000000e+00 : f32
      %logistic3A_54 = vector.broadcast %logistic3A_53 : f32 to vector<64x128xf32>
      %logistic3A_55 = arith.addf %logistic3A_54, %logistic3A_52 : vector<64x128xf32>
      %logistic3A_56 = arith.divf %logistic3A_54, %logistic3A_55 : vector<64x128xf32>
      %swap3A_57 = arith.constant 0 : index
      %swap3A_58 = arith.constant 0 : index
      %swap3A_59 = vector.load %arg9[%swap3A_57, %swap3A_58] : memref<64x128xf32, #tpu.memory_space<vmem>>, vector<64x128xf32>
      tpu.vector_store %arg9[%swap3A_57, %swap3A_58], %logistic3A_56 {strides = array<i32>} : memref<64x128xf32, #tpu.memory_space<vmem>>, vector<64x128xf32>,
    } else {
    }
    return
  }
  func.func @transform_0(%arg0: i32) -> (i32, i32) {
    %c0_i32 = arith.constant 0 : i32
    %c0_i32_0 = arith.constant 0 : i32
    return %arg0, %c0_i32 : i32, i32
  }
  func.func @transform_1(%arg0: i32) -> (i32, i32) {
    %c0_i32 = arith.constant 0 : i32
    %c0_i32_0 = arith.constant 0 : i32
    return %arg0, %c0_i32 : i32, i32
  }
  func.func @transform_2(%arg0: i32) -> (i32, i32) {
    %c0_i32 = arith.constant 0 : i32
    %c0_i32_0 = arith.constant 0 : i32
    return %arg0, %c0_i32 : i32, i32
  }
  func.func @transform_3(%arg0: i32) -> (i32, i32, i32) {
    %c0_i32 = arith.constant 0 : i32
    %c0_i32_0 = arith.constant 0 : i32
    %c0_i32_1 = arith.constant 0 : i32
    return %arg0, %c0_i32, %c0_i32_0 : i32, i32, i32
  }
  func.func @transform_4(%arg0: i32) -> (i32, i32) {
    %c0_i32 = arith.constant 0 : i32
    %c0_i32_0 = arith.constant 0 : i32
    %c0_i32_1 = arith.constant 0 : i32
    return %c0_i32, %c0_i32_0 : i32, i32
  }
  func.func @transform_5(%arg0: i32) -> (i32, i32) {
    %c0_i32 = arith.constant 0 : i32
    %c0_i32_0 = arith.constant 0 : i32
    %c0_i32_1 = arith.constant 0 : i32
    return %c0_i32, %c0_i32_0 : i32, i32
  }
  func.func @transform_6(%arg0: i32) -> (i32, i32) {
    %c0_i32 = arith.constant 0 : i32
    %c0_i32_0 = arith.constant 0 : i32
    %c0_i32_1 = arith.constant 0 : i32
    return %c0_i32, %c0_i32_0 : i32, i32
  }
  func.func @transform_7(%arg0: i32) -> (i32, i32) {
    %c0_i32 = arith.constant 0 : i32
    %c0_i32_0 = arith.constant 0 : i32
    %c0_i32_1 = arith.constant 0 : i32
    return %c0_i32, %c0_i32_0 : i32, i32
  }
  func.func @transform_8(%arg0: i32) -> (i32, i32) {
    %c0_i32 = arith.constant 0 : i32
    %c0_i32_0 = arith.constant 0 : i32
    %c0_i32_1 = arith.constant 0 : i32
    return %c0_i32, %c0_i32_0 : i32, i32
  }
}

</mosaic_0001>

<sc_bundles>
// kernel: kernel.4.cloned.1.call-start
scs
__scs_entry_jumppad:
0x0: {  	(pc) =	sbr.rel $0x88, $3  }
0x1: {  	(tag) =	ssettag $0x0;
	lr =	simm.s32 $0x1  }
0x2: {  	[smem:$0x3F9A] =	sst lr;
	_ =	strace $0xD0000000  }
0x3: {  	_ = 	snop  }
0x4: {  	_ = 	snop  }
0x5: {  	_ = 	snop  }
0x6: {  	_ = 	snop  }
0x7: {  	_ = 	snop  }
__scs_overlays_trampoline_lowered:
0x8: {  	[smem:$0x3FA9] =	sst s0  }
0x9: {  	[smem:$0x3FAA] =	sst s1  }
0xa: {  	[smem:$0x3FAB] =	sst s2  }
0xb: {  	[smem:$0x3FAC] =	sst s3  }
0xc: {  	[smem:$0x3FAD] =	sst s4  }
0xd: {  	[smem:$0x3FAE] =	sst s5  }
0xe: {  	[smem:$0x3FAF] =	sst s6  }
0xf: {  	[smem:$0x3FB0] =	sst s7  }
0x10: {  	[smem:$0x3FB1] =	sst s8  }
0x11: {  	[smem:$0x3FB2] =	sst s9;
	s0 =	simm.s32 @!p0 $0x0  }
0x12: {  	s1 =	sld [smem:$0x3F98];
	s0 =	simm.s32 @p0 $0x1  }
0x13: {  	[smem:$0x3FB3] =	sst s0;
	s0 =	simm.s32 @!p1 $0x0  }
0x14: {  	s2 =	sld [smem:$0x3F97];
	s0 =	simm.s32 @p1 $0x1  }
0x15: {  	[smem:$0x3FB4] =	sst s0;
	s0 =	simm.s32 @!p2 $0x0  }
0x16: {  	s3 =	sld [smem:$0x3FDB];
	s0 =	simm.s32 @p2 $0x1  }
0x17: {  	s4 =	simm.s32 $0x1BF5;
	[smem:$0x3FB6] =	sst s0  }
0x18: {  	s0 =	sld [smem:$0x3F99];
	_ =	swait.ge [sflag:s4], $0x0  }
0x19: {  	s7 =	sld [smem:$0x3F9A]  }
0x1a: {  	s8 =	sadd.s32 $0xFFFFE003, lr  }
0x1b: {  	s9 =	sadd.s32 $0xFFFFFEF7, lr;
	s5 =	simm.s32 $0xFFFFFFFF;
	p2 =	slt.u32 s8, $0xFFFFF086  }
0x1c: {  	p1 =	slt.u32 s9, $0xF7A;
	s5 =	simm.s32 @!p2 $0x0  }
0x1d: {  	s5 =	simm.s32 @p1 $0x1;
	p0 =	seq.s32 s7, s2  }
0x1e: {  	s7 =	smul.u32 @!p0 $0xF7A, s2;
	p2 =	seq.s32 @!p0 s5, $0x0  }
0x1f: {  	s9 =	smul.u32 $0xF7A, s1;
	s8 =	simm.s32 @!p0 $0x1BF5;
	p2 =	por !p2, p0  }
0x20: {  	[sflag:s8] =	ssyncset.s32 @!p0 $0xFFFFF086;
	s6 =	sadd.s32 @!p0 s3, s7;
	s7 =	simm.s32 @!p0 $0x108  }
0x21: {  	s3 =	sadd.s32 s3, s9;
	s6 =	sadd.s32 @!p0 $0x88, s6;
	s7 =	simm.s32 @p2 $0x1082  }
0x22: {  	[simem:s7], [sflag:s8] =	dma.local @!p0 [hbm:s6], $0xF7A  }
0x23: {  	s9 =	sor.u32 $0xD0000000, s2;
	s6 =	simm.s32 $0x108;
	_ =	swait.ge @!p0 [sflag:s8], $0x0  }
0x24: {  	s3 =	sadd.s32 $0x88, s3;
	s6 =	simm.s32 @!p1 $0x1082;
	[sflag:s4] =	ssyncset.s32 $0xFFFFF086  }
0x25: {  	[simem:s6], [sflag:s4] =	dma.local [hbm:s3], $0xF7A  }
0x26: {  	[smem:$0x3F9A] =	sst s1;
	(tag) =	ssettag s2;
	_ =	strace s9  }
0x27: {  	s1 =	sld [smem:$0x3FAA]  }
0x28: {  	s2 =	sld [smem:$0x3FAB]  }
0x29: {  	s4 =	sld [smem:$0x3FAD]  }
0x2a: {  	p0 =	seq.s32 s5, $0x0;
	s5 =	sld [smem:$0x3FAE]  }
0x2b: {  	s6 =	sld [smem:$0x3FAF]  }
0x2c: {  	s7 =	sld [smem:$0x3FB0]  }
0x2d: {  	s3 =	simm.s32 $0x108;
	s8 =	sld [smem:$0x3FB1]  }
0x2e: {  	s3 =	simm.s32 @!p0 $0x1082;
	s9 =	sld [smem:$0x3FB2]  }
0x2f: {  	lr =	sadd.s32 s0, s3;
	s0 =	sld [smem:$0x3FA9]  }
0x30: {  	s3 =	sld [smem:$0x3FAC]  }
0x31: {  	[smem:$0x3FB5] =	sst s10  }
0x32: {  	s10 =	sld [smem:$0x3FB3];
	_ =	sdelay $0x3  }
0x33: {  	p0 =	seq.s32 s10, $0x1;
	s10 =	sld [smem:$0x3FB5];
	_ =	sdelay $0x3  }
0x34: {  	[smem:$0x3FB5] =	sst s10  }
0x35: {  	s10 =	sld [smem:$0x3FB4];
	_ =	sdelay $0x3  }
0x36: {  	p1 =	seq.s32 s10, $0x1;
	s10 =	sld [smem:$0x3FB5];
	_ =	sdelay $0x3  }
0x37: {  	[smem:$0x3FB5] =	sst s10  }
0x38: {  	s10 =	sld [smem:$0x3FB6]  }
0x39: {  	_ = 	snop;
	(pc) =	sbr.ind lr, $3  }
0x3a: {  	_ = 	snop  }
0x3b: {  	_ = 	snop  }
0x3c: {  	p2 =	seq.s32 s10, $0x1;
	s10 =	sld [smem:$0x3FB5]  }
0x3d: {  	_ =	shalt  }
0x3e: {  	_ =	shalt  }
0x3f: {  	_ =	shalt  }
0x40: {  	_ =	shalt  }
0x41: {  	_ =	shalt  }
0x42: {  	_ =	shalt  }
0x43: {  	_ =	shalt  }
0x44: {  	_ =	shalt  }
0x45: {  	_ =	shalt  }
0x46: {  	_ =	shalt  }
0x47: {  	_ =	shalt  }
0x48: {  	_ =	shalt  }
0x49: {  	_ =	shalt  }
0x4a: {  	_ =	shalt  }
0x4b: {  	_ =	shalt  }
0x4c: {  	_ =	shalt  }
0x4d: {  	_ =	shalt  }
0x4e: {  	_ =	shalt  }
0x4f: {  	_ =	shalt  }
0x50: {  	_ =	shalt  }
0x51: {  	_ =	shalt  }
0x52: {  	_ =	shalt  }
0x53: {  	_ =	shalt  }
0x54: {  	_ =	shalt  }
0x55: {  	_ =	shalt  }
0x56: {  	_ =	shalt  }
0x57: {  	_ =	shalt  }
0x58: {  	_ =	shalt  }
0x59: {  	_ =	shalt  }
0x5a: {  	_ =	shalt  }
0x5b: {  	_ =	shalt  }
0x5c: {  	_ =	shalt  }
0x5d: {  	_ =	shalt  }
0x5e: {  	_ =	shalt  }
0x5f: {  	_ =	shalt  }
0x60: {  	_ =	shalt  }
0x61: {  	_ =	shalt  }
0x62: {  	_ =	shalt  }
0x63: {  	_ =	shalt  }
0x64: {  	_ =	shalt  }
0x65: {  	_ =	shalt  }
0x66: {  	_ =	shalt  }
0x67: {  	_ =	shalt  }
0x68: {  	_ =	shalt  }
0x69: {  	_ =	shalt  }
0x6a: {  	_ =	shalt  }
0x6b: {  	_ =	shalt  }
0x6c: {  	_ =	shalt  }
0x6d: {  	_ =	shalt  }
0x6e: {  	_ =	shalt  }
0x6f: {  	_ =	shalt  }
0x70: {  	_ =	shalt  }
0x71: {  	_ =	shalt  }
0x72: {  	_ =	shalt  }
0x73: {  	_ =	shalt  }
0x74: {  	_ =	shalt  }
0x75: {  	_ =	shalt  }
0x76: {  	_ =	shalt  }
0x77: {  	_ =	shalt  }
0x78: {  	_ =	shalt  }
0x79: {  	_ =	shalt  }
0x7a: {  	_ =	shalt  }
0x7b: {  	_ =	shalt  }
0x7c: {  	_ =	shalt  }
0x7d: {  	_ =	shalt  }
0x7e: {  	_ =	shalt  }
0x7f: {  	_ =	shalt  }
0x80: {  	_ =	shalt  }
0x81: {  	_ =	shalt  }
0x82: {  	_ =	shalt  }
0x83: {  	_ =	shalt  }
0x84: {  	_ =	shalt  }
0x85: {  	_ =	shalt  }
0x86: {  	_ =	shalt  }
0x87: {  	_ =	shalt  }
.Lfunc_end0:
.L_simem_size_0:
called_computation_lowered:
.L_overlay_start_0:
0x88: {  	s2 =	sld [smem:$0x3FD9]  }
0x89: {  	s3 =	sld [smem:$0x3FFE];
	_ =	sdelay $0x1  }
0x8a: {  	s1 =	srdreg.scid  }
0x8b: {  	s0 =	sand.u32 $0x1, s1  }
0x8c: {  	s17 =	sshll.u32 s0, $0xA;
	s2 =	sadd.s32 s3, s2  }
0x8d: {  	s2 =	sadd.s32 s2, s17  }
0x8e: {  	[smem:$0x3FC1] =	sst s2  }
0x8f: {  	_ = 	snop  }
0x90: {  	s2 =	sld [smem:$0x3FC9];
	(tm) =	ssettm $0x1  }
0x91: {  	s18 =	sld [smem:$0x3FFB];
	_ =	sdelay $0x3  }
0x92: {  	_ =	strace s18  }
0x93: {  	s3 =	sld [smem:$0x3FFC];
	_ =	sdelay $0x3  }
0x94: {  	_ =	strace s3  }
0x95: {  	s3 =	sld [smem:$0x3FFD];
	_ =	sdelay $0x3  }
0x96: {  	_ =	strace s3  }
0x97: {  	_ =	strace $0x8FFFFFFF  }
0x98: {  	s19 =	sld [smem:$0x3FDB];
	_ =	sdelay $0x1  }
0x99: {  	s4 =	simm.s32 $_scs_section_size  }
0x9a: {  	s5 =	simm.s32 $_size__tile_overlayer_lowered;
	s6 =	simm.s32 $_tile_overlayer_lowered  }
0x9b: {  	s22 =	simm.s32 $0x1BFF;
	s21 =	sshll.u32 s6, $0x1;
	s3 =	sadd.s32 s4, s19  }
0x9c: {  	s7 =	simm.s32 $0x0;
	s20 =	sshll.u32 s5, $0x1;
	s5 =	sadd.s32 s21, s3  }
0x9d: {  	[timem:s7], [sflag:s22] =	dma.local [hbm:s5], s20  }
0x9e: {  	_ =	swait.ge [sflag:s22], s20  }
0x9f: {  	s4 =	ssub.s32 $0x0, s20;
	[sflag:s22] =	ssyncset.done $0x0  }
0xa0: {  	[sflag:s22] =	ssyncadd.s32 s4;
	_ =	sdelay $0x1  }
0xa1: {  	s23 =	simm.s32 $0x1B8B  }
0xa2: {  	_ =	swait.ge [sflag:s23], $0x1  }
0xa3: {  	[sflag:s23] =	ssyncset.done $0x0  }
0xa4: {  	s25 =	simm.s32 $0x1B8E;
	s24 =	sld [smem:$0x3FFE];
	[sflag:s23] =	ssyncadd.s32 $0xFFFFFFFF  }
0xa5: {  	s26 =	simm.s32 $execute0_lowered;
	[smem:$0x3FD2] =	sst s25  }
0xa6: {  	s5 =	sshll.u32 s26, $0x1;
	_ =	strace $0x80000046;
	[dreg:$0x1] =	wrdreg $0xFFFFFFFF  }
0xa7: {  	s28 =	simm.s32 $_size_execute0_lowered;
	s3 =	sadd.s32 s3, s5;
	[dreg:$0x0] =	wrdreg $0x0  }
0xa8: {  	s5 =	sshll.u32 s28, $0x1;
	[dreg:$0x2] =	wrdreg s3  }
0xa9: {  	[dreg:$0x3] =	wrdreg s5  }
0xaa: {  	[dreg:$0x4] =	wrdreg $0xC0  }
0xab: {  	_ =	task [dreg:s7], $0x5FFFF  }
0xac: {  	[dreg:$0x1] =	wrdreg $0xFFFFFFFF  }
0xad: {  	[dreg:$0x0] =	wrdreg $0x60  }
0xae: {  	[dreg:$0x2] =	wrdreg s2  }
0xaf: {  	[dreg:$0x3] =	wrdreg s24  }
0xb0: {  	[dreg:$0x4] =	wrdreg $0xA8000  }
0xb1: {  	[dreg:$0x5] =	wrdreg $0x9  }
0xb2: {  	_ =	task.clear_ibuf [dreg:s7], $0x6FFFF;
	_ =	strace $0x90000046  }
0xb3: {  	s29 =	simm.s32 $0x9;
	_ =	strace $0x8000004B  }
0xb4: {  	_ =	swait.ge [sflag:s29], $0x1  }
0xb5: {  	[sflag:s29] =	ssyncadd.s32 $0xFFFFFFFF  }
0xb6: {  	_ =	strace $0x9000004B  }
0xb7: {  	_ =	sfence  }
0xb8: {  	s30 =	sld [smem:$0x0];
	_ =	sdelay $0x2  }
0xb9: {  	s31 =	sshll.u32 s1, $0xD;
	s1 =	sshrl.u32 s1, $0x2  }
0xba: {  	s3 =	sand.u32 $0x4000, s31;
	s1 =	sadd.s32 s1, s30  }
0xbb: {  	s0 =	sor.u32 s3, s0;
	s1 =	sshll.u32 s1, $0x11  }
0xbc: {  	s0 =	sor.u32 s1, s0  }
0xbd: {  	s0 =	sadd.s32 $0x8F2B, s0  }
0xbe: {  	[sflag:s0] =	ssyncadd.remote.s32 $0x1  }
0xbf: {  	_ =	sfence.sel $0xFFFF  }
0xc0: {  	[dreg:$0x0] =	wrdreg $0xFFFFFFFF;
	(pc) =	sbr.abs _section_cstart, $3  }
0xc1: {  	[dreg:$0x1] =	wrdreg $0xFFFFFFFF  }
0xc2: {  	_ =	task.clear_ibuf [dreg:s7], $0x2FFFF;
	_ =	strace $0x9FFFFFFF  }
0xc3: {  	(tm) =	ssettm $0x7FFFFFFF  }
tec
execute0_lowered:
.L_overlay_start_1:
0x0: {  	(tag) =	ssettag $0x1  }
0x1: {  	s2 =	rddreg [dreg:$0x0]  }
0x2: {  	s0 =	rddreg [dreg:$0x1]  }
0x3: {  	s3 =	rddreg [dreg:$0x2]  }
0x4: {  	s16 =	stileid.u32;
	s1 =	srdreg.scid  }
0x5: {  	s4 =	simm.s32 $0x0;
	s28 =	simm.s32 $0x8800;
	s29 =	simm.s32 $0x1  }
0x6: {  	s30 =	simm.s32 $0x2;
	s31 =	simm.s32 $0x3;
	s5 =	smul.u32 $0x13C00, s16  }
0x7: {  	s1 =	sand.u32 $0x1, s1;
	[smem:$0x7FF] =	sst s4;
	s8 =	smul.u32 $0x4F000, s16  }
0x8: {  	s7 =	sadd.s32 $0x1000, s0;
	s9 =	sadd.s32 $0x15000, s0;
	s11 =	smul.u32 $0x5000, s16  }
0x9: {  	s26 =	sshll.u32 s16, $0x6;
	s6 =	smul.u32 $0x13C000, s1;
	_ =	strace $0x80000047  }
0xa: {  	s10 =	smul.u32 $0x50000, s1;
	s1 =	ssub.s32 $0x2, s1;
	s16 =	sor.u32 $0x1C05, s26  }
0xb: {  	s26 =	simm.s32 $0x180;
	s15 =	sshrl.u32 s1, $0x1;
	s8 =	sshrl.u32 s8, $0x2  }
0xc: {  	s6 =	sadd.s32 s5, s6;
	s5 =	sshrl.u32 s5, $0x3;
	s10 =	sadd.s32 s11, s10  }
0xd: {  	s1 =	ssub.s32 s1, s15;
	s17 =	sadd.s32 s8, s3;
	s8 =	simm.s32 $0x0  }
0xe: {  	s6 =	sshrl.u32 s6, $0x3;
	s5 =	sadd.s32 s5, s0;
	s18 =	sshrl.u32 s10, $0x3  }
0xf: {  	s15 =	smax.u32 s1, $0x1;
	s17 =	sshrl.u32 s17, $0x3;
	s1 =	simm.s32 $0x2600  }
0x10: {  	s0 =	sadd.s32 s6, s0;
	s5 =	sadd.s32 $0x29000, s5;
	s19 =	sadd.s32 s7, s18  }
0x11: {  	s20 =	sadd.s32 $0x280, s18;
	s10 =	sadd.s32 s9, s18;
	[dreg:$0x4] =	wrdreg s5  }
0x12: {  	s22 =	sadd.s32 $0x500, s18;
	s24 =	sadd.s32 $0x780, s18;
	[dreg:$0x5] =	wrdreg s19  }
0x13: {  	s18 =	simm.s32 $0x5;
	s6 =	simm.s32 $0x2700;
	[dreg:$0x6] =	wrdreg s10  }
0x14: {  	s21 =	sadd.s32 s7, s20;
	s5 =	sadd.s32 s9, s20;
	s23 =	sadd.s32 s7, s22  }
0x15: {  	s25 =	sadd.s32 s9, s22;
	s12 =	sadd.s32 s7, s24;
	s13 =	sadd.s32 s9, s24  }
0x16: {  	s14 =	sadd.s32 $0x50800, s0;
	s19 =	simm.s32 $0x1400;
	[dreg:$0x7] =	wrdreg s21  }
0x17: {  	s20 =	simm.s32 $0x40;
	s22 =	simm.s32 $0x80;
	[dreg:$0x8] =	wrdreg s5  }
0x18: {  	s24 =	simm.s32 $0x100;
	s0 =	simm.s32 $0x4;
	[dreg:$0x9] =	wrdreg s23  }
0x19: {  	s7 =	simm.s32 $0x2780;
	[dreg:$0xa] =	wrdreg s25;
	s21 =	simm.s32 $0x2800  }
0x1a: {  	s23 =	simm.s32 $0x4800;
	s25 =	simm.s32 $0x6800;
	s5 =	simm.s32 $0x2680  }
.LBB2_1:
0x1b: {  	_ =	strace $0x80000048  }
0x1c: {  	s9 =	rddreg [dreg:$0x4]  }
0x1d: {  	[spmem:s17], [sflag:s16] =	dma.local [hbm:s9], $0x2780  }
0x1e: {  	_ =	swait.ge [sflag:s18], $0x2780  }
0x1f: {  	[sflag:s18] =	ssyncset.done $0x0  }
0x20: {  	[sflag:s18] =	ssyncadd.s32 $0xFFFFD880  }
0x21: {  	[bflag:$0x0] =	sbarrier.arrive $0xFFFF  }
0x22: {  	_ =	strace $0x90000048  }
0x23: {  	_ =	strace $0x80000049  }
0x24: {  	s11 =	rddreg [dreg:$0x5]  }
0x25: {  	[tilespmem:s4], [sflag:$0x5] =	stream.linear.gather [hbm4b:s11+s4], $0x1400, $0x200038;
	[tilespmem:$0x1E400] =	vst v63  }
0x26: {  	_ =	swait.ge [sflag:s18], $0x1400  }
0x27: {  	[sflag:s18] =	ssyncset.done $0x0  }
0x28: {  	s10 =	rddreg [dreg:$0x6];
	[sflag:s18] =	ssyncadd.s32 $0xFFFFEC00  }
0x29: {  	[tilespmem:s19], [sflag:$0x5] =	stream.linear.gather [hbm4b:s10+s4], $0x1400, $0x200038;
	[tilespmem:$0x1E400] =	vst v63  }
0x2a: {  	_ =	swait.ge [sflag:s18], $0x1400  }
0x2b: {  	[sflag:s18] =	ssyncset.done $0x0  }
0x2c: {  	[sflag:s18] =	ssyncadd.s32 $0xFFFFEC00  }
0x2d: {  	[tilespmem:s21], [sflag:$0x1] =	stream.indirect.gather [hbm4b:s2+s20], $0x80, s4, s20, $0x2000b8;
	[tilespmem:$0x1E400] =	vst v63  }
0x2e: {  	_ = 	snop  }
0x2f: {  	[tilespmem:s23], [sflag:$0x2] =	stream.indirect.gather [hbm4b:s2+s20], $0x80, s22, s20, $0x2000b8;
	[tilespmem:$0x1E400] =	vst v63  }
0x30: {  	_ = 	snop  }
0x31: {  	[tilespmem:s25], [sflag:$0x3] =	stream.indirect.gather [hbm4b:s2+s20], $0x80, s24, s20, $0x2000b8;
	[tilespmem:$0x1E400] =	vst v63  }
0x32: {  	_ = 	snop  }
0x33: {  	[tilespmem:s28], [sflag:$0x4] =	stream.indirect.gather [hbm4b:s2+s20], $0x80, s26, s20, $0x2000b8;
	[tilespmem:$0x1E400] =	vst v63  }
0x34: {  	_ =	swait.ge [sflag:s29], $0x2000  }
0x35: {  	[sflag:s29] =	ssyncset.done $0x0  }
0x36: {  	s11 =	simm.s32 $0x1400;
	[sflag:s29] =	ssyncadd.s32 $0xFFFFE000  }
0x37: {  	[spmem:s3] =	stream.indirect.scatter.add.f32 [tilespmem:s21], [sflag:$0x5], $0x80, s11, s20, $0x2000b8;
	[tilespmem:$0x1E400] =	vst v63  }
0x38: {  	_ =	swait.ge [sflag:s18], $0x2000  }
0x39: {  	[sflag:s18] =	ssyncset.done $0x0  }
0x3a: {  	s10 =	simm.s32 $0x200;
	[sflag:s18] =	ssyncadd.s32 $0xFFFFE000  }
0x3b: {  	[tilespmem:s21], [sflag:$0x1] =	stream.indirect.gather [hbm4b:s2+s20], $0x80, s10, s20, $0x2000b8;
	[tilespmem:$0x1E400] =	vst v63  }
0x3c: {  	_ =	swait.ge [sflag:s30], $0x2000  }
0x3d: {  	[sflag:s30] =	ssyncset.done $0x0  }
0x3e: {  	s11 =	simm.s32 $0x1480;
	[sflag:s30] =	ssyncadd.s32 $0xFFFFE000  }
0x3f: {  	[spmem:s3] =	stream.indirect.scatter.add.f32 [tilespmem:s23], [sflag:$0x5], $0x80, s11, s20, $0x2000b8;
	[tilespmem:$0x1E400] =	vst v63  }
0x40: {  	_ =	swait.ge [sflag:s18], $0x2000  }
0x41: {  	[sflag:s18] =	ssyncset.done $0x0  }
0x42: {  	s10 =	simm.s32 $0x280;
	[sflag:s18] =	ssyncadd.s32 $0xFFFFE000  }
0x43: {  	[tilespmem:s23], [sflag:$0x2] =	stream.indirect.gather [hbm4b:s2+s20], $0x80, s10, s20, $0x2000b8;
	[tilespmem:$0x1E400] =	vst v63  }
0x44: {  	_ =	swait.ge [sflag:s31], $0x2000  }
0x45: {  	[sflag:s31] =	ssyncset.done $0x0  }
0x46: {  	s11 =	simm.s32 $0x1500;
	[sflag:s31] =	ssyncadd.s32 $0xFFFFE000  }
0x47: {  	[spmem:s3] =	stream.indirect.scatter.add.f32 [tilespmem:s25], [sflag:$0x5], $0x80, s11, s20, $0x2000b8;
	[tilespmem:$0x1E400] =	vst v63  }
0x48: {  	_ =	swait.ge [sflag:s18], $0x2000  }
0x49: {  	[sflag:s18] =	ssyncset.done $0x0  }
0x4a: {  	s10 =	simm.s32 $0x300;
	[sflag:s18] =	ssyncadd.s32 $0xFFFFE000  }
0x4b: {  	[tilespmem:s25], [sflag:$0x3] =	stream.indirect.gather [hbm4b:s2+s20], $0x80, s10, s20, $0x2000b8;
	[tilespmem:$0x1E400] =	vst v63  }
0x4c: {  	_ =	swait.ge [sflag:s0], $0x2000  }
0x4d: {  	[sflag:s0] =	ssyncset.done $0x0  }
0x4e: {  	s11 =	simm.s32 $0x1580;
	[sflag:s0] =	ssyncadd.s32 $0xFFFFE000  }
0x4f: {  	[spmem:s3] =	stream.indirect.scatter.add.f32 [tilespmem:s28], [sflag:$0x5], $0x80, s11, s20, $0x2000b8;
	[tilespmem:$0x1E400] =	vst v63  }
0x50: {  	_ =	swait.ge [sflag:s18], $0x2000  }
0x51: {  	[sflag:s18] =	ssyncset.done $0x0  }
0x52: {  	s9 =	simm.s32 $0x800;
	s10 =	simm.s32 $0x380;
	[sflag:s18] =	ssyncadd.s32 $0xFFFFE000  }
.LBB2_2:
0x53: {  	[tilespmem:s28], [sflag:$0x4] =	stream.indirect.gather [hbm4b:s2+s20], $0x80, s10, s20, $0x2000b8;
	[tilespmem:$0x1E400] =	vst v63  }
0x54: {  	s10 =	smov.u32 s9  }
0x55: {  	p0 =	sne.s32 s9, $0x4000;
	s9 =	sadd.s32 $0x800, s9;
	_ =	swait.ge [sflag:s29], $0x2000  }
0x56: {  	s10 =	sshra.s32 s10, $0x2;
	[sflag:s29] =	ssyncset.done $0x0  }
0x57: {  	s11 =	sadd.s32 $0x1400, s10;
	[sflag:s29] =	ssyncadd.s32 $0xFFFFE000  }
0x58: {  	[spmem:s3] =	stream.indirect.scatter.add.f32 [tilespmem:s21], [sflag:$0x5], $0x80, s11, s20, $0x2000b8;
	[tilespmem:$0x1E400] =	vst v63  }
0x59: {  	_ =	swait.ge [sflag:s18], $0x2000  }
0x5a: {  	[sflag:s18] =	ssyncset.done $0x0  }
0x5b: {  	s11 =	sadd.s32 $0x200, s10;
	[sflag:s18] =	ssyncadd.s32 $0xFFFFE000  }
0x5c: {  	[tilespmem:s21], [sflag:$0x1] =	stream.indirect.gather [hbm4b:s2+s20], $0x80, s11, s20, $0x2000b8;
	[tilespmem:$0x1E400] =	vst v63  }
0x5d: {  	_ =	swait.ge [sflag:s30], $0x2000  }
0x5e: {  	[sflag:s30] =	ssyncset.done $0x0  }
0x5f: {  	s11 =	sadd.s32 $0x1480, s10;
	[sflag:s30] =	ssyncadd.s32 $0xFFFFE000  }
0x60: {  	[spmem:s3] =	stream.indirect.scatter.add.f32 [tilespmem:s23], [sflag:$0x5], $0x80, s11, s20, $0x2000b8;
	[tilespmem:$0x1E400] =	vst v63  }
0x61: {  	_ =	swait.ge [sflag:s18], $0x2000  }
0x62: {  	[sflag:s18] =	ssyncset.done $0x0  }
0x63: {  	s11 =	sadd.s32 $0x280, s10;
	[sflag:s18] =	ssyncadd.s32 $0xFFFFE000  }
0x64: {  	[tilespmem:s23], [sflag:$0x2] =	stream.indirect.gather [hbm4b:s2+s20], $0x80, s11, s20, $0x2000b8;
	[tilespmem:$0x1E400] =	vst v63  }
0x65: {  	_ =	swait.ge [sflag:s31], $0x2000  }
0x66: {  	[sflag:s31] =	ssyncset.done $0x0  }
0x67: {  	s11 =	sadd.s32 $0x1500, s10;
	[sflag:s31] =	ssyncadd.s32 $0xFFFFE000  }
0x68: {  	[spmem:s3] =	stream.indirect.scatter.add.f32 [tilespmem:s25], [sflag:$0x5], $0x80, s11, s20, $0x2000b8;
	[tilespmem:$0x1E400] =	vst v63  }
0x69: {  	_ =	swait.ge [sflag:s18], $0x2000  }
0x6a: {  	[sflag:s18] =	ssyncset.done $0x0  }
0x6b: {  	s11 =	sadd.s32 $0x300, s10;
	[sflag:s18] =	ssyncadd.s32 $0xFFFFE000  }
0x6c: {  	[tilespmem:s25], [sflag:$0x3] =	stream.indirect.gather [hbm4b:s2+s20], $0x80, s11, s20, $0x2000b8;
	[tilespmem:$0x1E400] =	vst v63  }
0x6d: {  	_ =	swait.ge [sflag:s0], $0x2000  }
0x6e: {  	[sflag:s0] =	ssyncset.done $0x0  }
.Ltmp0:
0x6f: {  	s11 =	sadd.s32 $0x1580, s10;
	[sflag:s0] =	ssyncadd.s32 $0xFFFFE000;
	(pc) =	sbr.rel @p0 .LBB2_2-.Ltmp0, $4  }
0x70: {  	[spmem:s3] =	stream.indirect.scatter.add.f32 [tilespmem:s28], [sflag:$0x5], $0x80, s11, s20, $0x2000b8;
	[tilespmem:$0x1E400] =	vst v63  }
0x71: {  	_ =	swait.ge [sflag:s18], $0x2000  }
0x72: {  	[sflag:s18] =	ssyncset.done $0x0  }
0x73: {  	s10 =	sadd.s32 $0x380, s10;
	[sflag:s18] =	ssyncadd.s32 $0xFFFFE000  }
0x74: {  	[tilespmem:s28], [sflag:$0x4] =	stream.indirect.gather [hbm4b:s2+s20], $0x80, s10, s20, $0x2000b8;
	[tilespmem:$0x1E400] =	vst v63  }
0x75: {  	_ =	swait.ge [sflag:s29], $0x2000  }
0x76: {  	[sflag:s29] =	ssyncset.done $0x0  }
0x77: {  	[sflag:s29] =	ssyncadd.s32 $0xFFFFE000  }
0x78: {  	[spmem:s3] =	stream.indirect.scatter.add.f32 [tilespmem:s21], [sflag:$0x5], $0x80, s1, s20, $0x2000b8;
	[tilespmem:$0x1E400] =	vst v63  }
0x79: {  	_ =	swait.ge [sflag:s18], $0x2000  }
0x7a: {  	[sflag:s18] =	ssyncset.done $0x0  }
0x7b: {  	[sflag:s18] =	ssyncadd.s32 $0xFFFFE000  }
0x7c: {  	_ =	swait.ge [sflag:s30], $0x2000  }
0x7d: {  	[sflag:s30] =	ssyncset.done $0x0  }
0x7e: {  	[sflag:s30] =	ssyncadd.s32 $0xFFFFE000  }
0x7f: {  	[spmem:s3] =	stream.indirect.scatter.add.f32 [tilespmem:s23], [sflag:$0x5], $0x80, s5, s20, $0x2000b8;
	[tilespmem:$0x1E400] =	vst v63  }
0x80: {  	_ =	swait.ge [sflag:s18], $0x2000  }
0x81: {  	[sflag:s18] =	ssyncset.done $0x0  }
0x82: {  	[sflag:s18] =	ssyncadd.s32 $0xFFFFE000  }
0x83: {  	_ =	swait.ge [sflag:s31], $0x2000  }
0x84: {  	[sflag:s31] =	ssyncset.done $0x0  }
0x85: {  	[sflag:s31] =	ssyncadd.s32 $0xFFFFE000  }
0x86: {  	[spmem:s3] =	stream.indirect.scatter.add.f32 [tilespmem:s25], [sflag:$0x5], $0x80, s6, s20, $0x2000b8;
	[tilespmem:$0x1E400] =	vst v63  }
0x87: {  	_ =	swait.ge [sflag:s18], $0x2000  }
0x88: {  	[sflag:s18] =	ssyncset.done $0x0  }
0x89: {  	[sflag:s18] =	ssyncadd.s32 $0xFFFFE000  }
0x8a: {  	_ =	swait.ge [sflag:s0], $0x2000  }
0x8b: {  	[sflag:s0] =	ssyncset.done $0x0  }
0x8c: {  	[sflag:s0] =	ssyncadd.s32 $0xFFFFE000  }
0x8d: {  	[spmem:s3] =	stream.indirect.scatter.add.f32 [tilespmem:s28], [sflag:$0x5], $0x80, s7, s20, $0x2000b8;
	[tilespmem:$0x1E400] =	vst v63  }
0x8e: {  	_ =	swait.ge [sflag:s18], $0x2000  }
0x8f: {  	[sflag:s18] =	ssyncset.done $0x0  }
0x90: {  	s9 =	simm.s32 $0x0;
	s11 =	rddreg [dreg:$0x7];
	[sflag:s18] =	ssyncadd.s32 $0xFFFFE000  }
0x91: {  	[tilespmem:s9], [sflag:$0x5] =	stream.linear.gather [hbm4b:s11+s9], $0x1400, $0x200038;
	[tilespmem:$0x1E400] =	vst v63  }
0x92: {  	_ =	swait.ge [sflag:s18], $0x1400  }
0x93: {  	[sflag:s18] =	ssyncset.done $0x0  }
0x94: {  	s11 =	rddreg [dreg:$0x8];
	[sflag:s18] =	ssyncadd.s32 $0xFFFFEC00  }
0x95: {  	[tilespmem:s19], [sflag:$0x5] =	stream.linear.gather [hbm4b:s11+s9], $0x1400, $0x200038;
	[tilespmem:$0x1E400] =	vst v63  }
0x96: {  	_ =	swait.ge [sflag:s18], $0x1400  }
0x97: {  	[sflag:s18] =	ssyncset.done $0x0  }
0x98: {  	[sflag:s18] =	ssyncadd.s32 $0xFFFFEC00  }
0x99: {  	[tilespmem:s21], [sflag:$0x1] =	stream.indirect.gather [hbm4b:s2+s20], $0x80, s9, s20, $0x2000b8;
	[tilespmem:$0x1E400] =	vst v63  }
0x9a: {  	_ = 	snop  }
0x9b: {  	[tilespmem:s23], [sflag:$0x2] =	stream.indirect.gather [hbm4b:s2+s20], $0x80, s22, s20, $0x2000b8;
	[tilespmem:$0x1E400] =	vst v63  }
0x9c: {  	_ = 	snop  }
0x9d: {  	[tilespmem:s25], [sflag:$0x3] =	stream.indirect.gather [hbm4b:s2+s20], $0x80, s24, s20, $0x2000b8;
	[tilespmem:$0x1E400] =	vst v63  }
0x9e: {  	_ = 	snop  }
0x9f: {  	[tilespmem:s28], [sflag:$0x4] =	stream.indirect.gather [hbm4b:s2+s20], $0x80, s26, s20, $0x2000b8;
	[tilespmem:$0x1E400] =	vst v63  }
0xa0: {  	_ =	swait.ge [sflag:s29], $0x2000  }
0xa1: {  	[sflag:s29] =	ssyncset.done $0x0  }
0xa2: {  	s11 =	simm.s32 $0x1400;
	[sflag:s29] =	ssyncadd.s32 $0xFFFFE000  }
0xa3: {  	[spmem:s3] =	stream.indirect.scatter.add.f32 [tilespmem:s21], [sflag:$0x5], $0x80, s11, s20, $0x2000b8;
	[tilespmem:$0x1E400] =	vst v63  }
0xa4: {  	_ =	swait.ge [sflag:s18], $0x2000  }
0xa5: {  	[sflag:s18] =	ssyncset.done $0x0  }
0xa6: {  	s10 =	simm.s32 $0x200;
	[sflag:s18] =	ssyncadd.s32 $0xFFFFE000  }
0xa7: {  	[tilespmem:s21], [sflag:$0x1] =	stream.indirect.gather [hbm4b:s2+s20], $0x80, s10, s20, $0x2000b8;
	[tilespmem:$0x1E400] =	vst v63  }
0xa8: {  	_ =	swait.ge [sflag:s30], $0x2000  }
0xa9: {  	[sflag:s30] =	ssyncset.done $0x0  }
0xaa: {  	s11 =	simm.s32 $0x1480;
	[sflag:s30] =	ssyncadd.s32 $0xFFFFE000  }
0xab: {  	[spmem:s3] =	stream.indirect.scatter.add.f32 [tilespmem:s23], [sflag:$0x5], $0x80, s11, s20, $0x2000b8;
	[tilespmem:$0x1E400] =	vst v63  }
0xac: {  	_ =	swait.ge [sflag:s18], $0x2000  }
0xad: {  	[sflag:s18] =	ssyncset.done $0x0  }
0xae: {  	s10 =	simm.s32 $0x280;
	[sflag:s18] =	ssyncadd.s32 $0xFFFFE000  }
0xaf: {  	[tilespmem:s23], [sflag:$0x2] =	stream.indirect.gather [hbm4b:s2+s20], $0x80, s10, s20, $0x2000b8;
	[tilespmem:$0x1E400] =	vst v63  }
0xb0: {  	_ =	swait.ge [sflag:s31], $0x2000  }
0xb1: {  	[sflag:s31] =	ssyncset.done $0x0  }
0xb2: {  	s11 =	simm.s32 $0x1500;
	[sflag:s31] =	ssyncadd.s32 $0xFFFFE000  }
0xb3: {  	[spmem:s3] =	stream.indirect.scatter.add.f32 [tilespmem:s25], [sflag:$0x5], $0x80, s11, s20, $0x2000b8;
	[tilespmem:$0x1E400] =	vst v63  }
0xb4: {  	_ =	swait.ge [sflag:s18], $0x2000  }
0xb5: {  	[sflag:s18] =	ssyncset.done $0x0  }
0xb6: {  	s10 =	simm.s32 $0x300;
	[sflag:s18] =	ssyncadd.s32 $0xFFFFE000  }
0xb7: {  	[tilespmem:s25], [sflag:$0x3] =	stream.indirect.gather [hbm4b:s2+s20], $0x80, s10, s20, $0x2000b8;
	[tilespmem:$0x1E400] =	vst v63  }
0xb8: {  	_ =	swait.ge [sflag:s0], $0x2000  }
0xb9: {  	[sflag:s0] =	ssyncset.done $0x0  }
0xba: {  	s11 =	simm.s32 $0x1580;
	[sflag:s0] =	ssyncadd.s32 $0xFFFFE000  }
0xbb: {  	[spmem:s3] =	stream.indirect.scatter.add.f32 [tilespmem:s28], [sflag:$0x5], $0x80, s11, s20, $0x2000b8;
	[tilespmem:$0x1E400] =	vst v63  }
0xbc: {  	_ =	swait.ge [sflag:s18], $0x2000  }
0xbd: {  	[sflag:s18] =	ssyncset.done $0x0  }
0xbe: {  	s9 =	simm.s32 $0x800;
	s10 =	simm.s32 $0x380;
	[sflag:s18] =	ssyncadd.s32 $0xFFFFE000  }
.LBB2_4:
0xbf: {  	[tilespmem:s28], [sflag:$0x4] =	stream.indirect.gather [hbm4b:s2+s20], $0x80, s10, s20, $0x2000b8;
	[tilespmem:$0x1E400] =	vst v63  }
0xc0: {  	s10 =	smov.u32 s9  }
0xc1: {  	p0 =	sne.s32 s9, $0x4000;
	s9 =	sadd.s32 $0x800, s9;
	_ =	swait.ge [sflag:s29], $0x2000  }
0xc2: {  	s10 =	sshra.s32 s10, $0x2;
	[sflag:s29] =	ssyncset.done $0x0  }
0xc3: {  	s11 =	sadd.s32 $0x1400, s10;
	[sflag:s29] =	ssyncadd.s32 $0xFFFFE000  }
0xc4: {  	[spmem:s3] =	stream.indirect.scatter.add.f32 [tilespmem:s21], [sflag:$0x5], $0x80, s11, s20, $0x2000b8;
	[tilespmem:$0x1E400] =	vst v63  }
0xc5: {  	_ =	swait.ge [sflag:s18], $0x2000  }
0xc6: {  	[sflag:s18] =	ssyncset.done $0x0  }
0xc7: {  	s11 =	sadd.s32 $0x200, s10;
	[sflag:s18] =	ssyncadd.s32 $0xFFFFE000  }
0xc8: {  	[tilespmem:s21], [sflag:$0x1] =	stream.indirect.gather [hbm4b:s2+s20], $0x80, s11, s20, $0x2000b8;
	[tilespmem:$0x1E400] =	vst v63  }
0xc9: {  	_ =	swait.ge [sflag:s30], $0x2000  }
0xca: {  	[sflag:s30] =	ssyncset.done $0x0  }
0xcb: {  	s11 =	sadd.s32 $0x1480, s10;
	[sflag:s30] =	ssyncadd.s32 $0xFFFFE000  }
0xcc: {  	[spmem:s3] =	stream.indirect.scatter.add.f32 [tilespmem:s23], [sflag:$0x5], $0x80, s11, s20, $0x2000b8;
	[tilespmem:$0x1E400] =	vst v63  }
0xcd: {  	_ =	swait.ge [sflag:s18], $0x2000  }
0xce: {  	[sflag:s18] =	ssyncset.done $0x0  }
0xcf: {  	s11 =	sadd.s32 $0x280, s10;
	[sflag:s18] =	ssyncadd.s32 $0xFFFFE000  }
0xd0: {  	[tilespmem:s23], [sflag:$0x2] =	stream.indirect.gather [hbm4b:s2+s20], $0x80, s11, s20, $0x2000b8;
	[tilespmem:$0x1E400] =	vst v63  }
0xd1: {  	_ =	swait.ge [sflag:s31], $0x2000  }
0xd2: {  	[sflag:s31] =	ssyncset.done $0x0  }
0xd3: {  	s11 =	sadd.s32 $0x1500, s10;
	[sflag:s31] =	ssyncadd.s32 $0xFFFFE000  }
0xd4: {  	[spmem:s3] =	stream.indirect.scatter.add.f32 [tilespmem:s25], [sflag:$0x5], $0x80, s11, s20, $0x2000b8;
	[tilespmem:$0x1E400] =	vst v63  }
0xd5: {  	_ =	swait.ge [sflag:s18], $0x2000  }
0xd6: {  	[sflag:s18] =	ssyncset.done $0x0  }
0xd7: {  	s11 =	sadd.s32 $0x300, s10;
	[sflag:s18] =	ssyncadd.s32 $0xFFFFE000  }
0xd8: {  	[tilespmem:s25], [sflag:$0x3] =	stream.indirect.gather [hbm4b:s2+s20], $0x80, s11, s20, $0x2000b8;
	[tilespmem:$0x1E400] =	vst v63  }
0xd9: {  	_ =	swait.ge [sflag:s0], $0x2000  }
0xda: {  	[sflag:s0] =	ssyncset.done $0x0  }
.Ltmp1:
0xdb: {  	s11 =	sadd.s32 $0x1580, s10;
	[sflag:s0] =	ssyncadd.s32 $0xFFFFE000;
	(pc) =	sbr.rel @p0 .LBB2_4-.Ltmp1, $4  }
0xdc: {  	[spmem:s3] =	stream.indirect.scatter.add.f32 [tilespmem:s28], [sflag:$0x5], $0x80, s11, s20, $0x2000b8;
	[tilespmem:$0x1E400] =	vst v63  }
0xdd: {  	_ =	swait.ge [sflag:s18], $0x2000  }
0xde: {  	[sflag:s18] =	ssyncset.done $0x0  }
0xdf: {  	s10 =	sadd.s32 $0x380, s10;
	[sflag:s18] =	ssyncadd.s32 $0xFFFFE000  }
0xe0: {  	[tilespmem:s28], [sflag:$0x4] =	stream.indirect.gather [hbm4b:s2+s20], $0x80, s10, s20, $0x2000b8;
	[tilespmem:$0x1E400] =	vst v63  }
0xe1: {  	_ =	swait.ge [sflag:s29], $0x2000  }
0xe2: {  	[sflag:s29] =	ssyncset.done $0x0  }
0xe3: {  	[sflag:s29] =	ssyncadd.s32 $0xFFFFE000  }
0xe4: {  	[spmem:s3] =	stream.indirect.scatter.add.f32 [tilespmem:s21], [sflag:$0x5], $0x80, s1, s20, $0x2000b8;
	[tilespmem:$0x1E400] =	vst v63  }
0xe5: {  	_ =	swait.ge [sflag:s18], $0x2000  }
0xe6: {  	[sflag:s18] =	ssyncset.done $0x0  }
0xe7: {  	[sflag:s18] =	ssyncadd.s32 $0xFFFFE000  }
0xe8: {  	_ =	swait.ge [sflag:s30], $0x2000  }
0xe9: {  	[sflag:s30] =	ssyncset.done $0x0  }
0xea: {  	[sflag:s30] =	ssyncadd.s32 $0xFFFFE000  }
0xeb: {  	[spmem:s3] =	stream.indirect.scatter.add.f32 [tilespmem:s23], [sflag:$0x5], $0x80, s5, s20, $0x2000b8;
	[tilespmem:$0x1E400] =	vst v63  }
0xec: {  	_ =	swait.ge [sflag:s18], $0x2000  }
0xed: {  	[sflag:s18] =	ssyncset.done $0x0  }
0xee: {  	[sflag:s18] =	ssyncadd.s32 $0xFFFFE000  }
0xef: {  	_ =	swait.ge [sflag:s31], $0x2000  }
0xf0: {  	[sflag:s31] =	ssyncset.done $0x0  }
0xf1: {  	[sflag:s31] =	ssyncadd.s32 $0xFFFFE000  }
0xf2: {  	[spmem:s3] =	stream.indirect.scatter.add.f32 [tilespmem:s25], [sflag:$0x5], $0x80, s6, s20, $0x2000b8;
	[tilespmem:$0x1E400] =	vst v63  }
0xf3: {  	_ =	swait.ge [sflag:s18], $0x2000  }
0xf4: {  	[sflag:s18] =	ssyncset.done $0x0  }
0xf5: {  	[sflag:s18] =	ssyncadd.s32 $0xFFFFE000  }
0xf6: {  	_ =	swait.ge [sflag:s0], $0x2000  }
0xf7: {  	[sflag:s0] =	ssyncset.done $0x0  }
0xf8: {  	[sflag:s0] =	ssyncadd.s32 $0xFFFFE000  }
0xf9: {  	[spmem:s3] =	stream.indirect.scatter.add.f32 [tilespmem:s28], [sflag:$0x5], $0x80, s7, s20, $0x2000b8;
	[tilespmem:$0x1E400] =	vst v63  }
0xfa: {  	_ =	swait.ge [sflag:s18], $0x2000  }
0xfb: {  	[sflag:s18] =	ssyncset.done $0x0  }
0xfc: {  	s9 =	simm.s32 $0x0;
	s11 =	rddreg [dreg:$0x9];
	[sflag:s18] =	ssyncadd.s32 $0xFFFFE000  }
0xfd: {  	[tilespmem:s9], [sflag:$0x5] =	stream.linear.gather [hbm4b:s11+s9], $0x1400, $0x200038;
	[tilespmem:$0x1E400] =	vst v63  }
0xfe: {  	_ =	swait.ge [sflag:s18], $0x1400  }
0xff: {  	[sflag:s18] =	ssyncset.done $0x0  }
0x100: {  	s11 =	rddreg [dreg:$0xa];
	[sflag:s18] =	ssyncadd.s32 $0xFFFFEC00  }
0x101: {  	[tilespmem:s19], [sflag:$0x5] =	stream.linear.gather [hbm4b:s11+s9], $0x1400, $0x200038;
	[tilespmem:$0x1E400] =	vst v63  }
0x102: {  	_ =	swait.ge [sflag:s18], $0x1400  }
0x103: {  	[sflag:s18] =	ssyncset.done $0x0  }
0x104: {  	[sflag:s18] =	ssyncadd.s32 $0xFFFFEC00  }
0x105: {  	[tilespmem:s21], [sflag:$0x1] =	stream.indirect.gather [hbm4b:s2+s20], $0x80, s9, s20, $0x2000b8;
	[tilespmem:$0x1E400] =	vst v63  }
0x106: {  	_ = 	snop  }
0x107: {  	[tilespmem:s23], [sflag:$0x2] =	stream.indirect.gather [hbm4b:s2+s20], $0x80, s22, s20, $0x2000b8;
	[tilespmem:$0x1E400] =	vst v63  }
0x108: {  	_ = 	snop  }
0x109: {  	[tilespmem:s25], [sflag:$0x3] =	stream.indirect.gather [hbm4b:s2+s20], $0x80, s24, s20, $0x2000b8;
	[tilespmem:$0x1E400] =	vst v63  }
0x10a: {  	_ = 	snop  }
0x10b: {  	[tilespmem:s28], [sflag:$0x4] =	stream.indirect.gather [hbm4b:s2+s20], $0x80, s26, s20, $0x2000b8;
	[tilespmem:$0x1E400] =	vst v63  }
0x10c: {  	_ =	swait.ge [sflag:s29], $0x2000  }
0x10d: {  	[sflag:s29] =	ssyncset.done $0x0  }
0x10e: {  	s11 =	simm.s32 $0x1400;
	[sflag:s29] =	ssyncadd.s32 $0xFFFFE000  }
0x10f: {  	[spmem:s3] =	stream.indirect.scatter.add.f32 [tilespmem:s21], [sflag:$0x5], $0x80, s11, s20, $0x2000b8;
	[tilespmem:$0x1E400] =	vst v63  }
0x110: {  	_ =	swait.ge [sflag:s18], $0x2000  }
0x111: {  	[sflag:s18] =	ssyncset.done $0x0  }
0x112: {  	s10 =	simm.s32 $0x200;
	[sflag:s18] =	ssyncadd.s32 $0xFFFFE000  }
0x113: {  	[tilespmem:s21], [sflag:$0x1] =	stream.indirect.gather [hbm4b:s2+s20], $0x80, s10, s20, $0x2000b8;
	[tilespmem:$0x1E400] =	vst v63  }
0x114: {  	_ =	swait.ge [sflag:s30], $0x2000  }
0x115: {  	[sflag:s30] =	ssyncset.done $0x0  }
0x116: {  	s11 =	simm.s32 $0x1480;
	[sflag:s30] =	ssyncadd.s32 $0xFFFFE000  }
0x117: {  	[spmem:s3] =	stream.indirect.scatter.add.f32 [tilespmem:s23], [sflag:$0x5], $0x80, s11, s20, $0x2000b8;
	[tilespmem:$0x1E400] =	vst v63  }
0x118: {  	_ =	swait.ge [sflag:s18], $0x2000  }
0x119: {  	[sflag:s18] =	ssyncset.done $0x0  }
0x11a: {  	s10 =	simm.s32 $0x280;
	[sflag:s18] =	ssyncadd.s32 $0xFFFFE000  }
0x11b: {  	[tilespmem:s23], [sflag:$0x2] =	stream.indirect.gather [hbm4b:s2+s20], $0x80, s10, s20, $0x2000b8;
	[tilespmem:$0x1E400] =	vst v63  }
0x11c: {  	_ =	swait.ge [sflag:s31], $0x2000  }
0x11d: {  	[sflag:s31] =	ssyncset.done $0x0  }
0x11e: {  	s11 =	simm.s32 $0x1500;
	[sflag:s31] =	ssyncadd.s32 $0xFFFFE000  }
0x11f: {  	[spmem:s3] =	stream.indirect.scatter.add.f32 [tilespmem:s25], [sflag:$0x5], $0x80, s11, s20, $0x2000b8;
	[tilespmem:$0x1E400] =	vst v63  }
0x120: {  	_ =	swait.ge [sflag:s18], $0x2000  }
0x121: {  	[sflag:s18] =	ssyncset.done $0x0  }
0x122: {  	s10 =	simm.s32 $0x300;
	[sflag:s18] =	ssyncadd.s32 $0xFFFFE000  }
0x123: {  	[tilespmem:s25], [sflag:$0x3] =	stream.indirect.gather [hbm4b:s2+s20], $0x80, s10, s20, $0x2000b8;
	[tilespmem:$0x1E400] =	vst v63  }
0x124: {  	_ =	swait.ge [sflag:s0], $0x2000  }
0x125: {  	[sflag:s0] =	ssyncset.done $0x0  }
0x126: {  	s11 =	simm.s32 $0x1580;
	[sflag:s0] =	ssyncadd.s32 $0xFFFFE000  }
0x127: {  	[spmem:s3] =	stream.indirect.scatter.add.f32 [tilespmem:s28], [sflag:$0x5], $0x80, s11, s20, $0x2000b8;
	[tilespmem:$0x1E400] =	vst v63  }
0x128: {  	_ =	swait.ge [sflag:s18], $0x2000  }
0x129: {  	[sflag:s18] =	ssyncset.done $0x0  }
0x12a: {  	s9 =	simm.s32 $0x800;
	s10 =	simm.s32 $0x380;
	[sflag:s18] =	ssyncadd.s32 $0xFFFFE000  }
.LBB2_6:
0x12b: {  	[tilespmem:s28], [sflag:$0x4] =	stream.indirect.gather [hbm4b:s2+s20], $0x80, s10, s20, $0x2000b8;
	[tilespmem:$0x1E400] =	vst v63  }
0x12c: {  	s10 =	smov.u32 s9  }
0x12d: {  	p0 =	sne.s32 s9, $0x4000;
	s9 =	sadd.s32 $0x800, s9;
	_ =	swait.ge [sflag:s29], $0x2000  }
0x12e: {  	s10 =	sshra.s32 s10, $0x2;
	[sflag:s29] =	ssyncset.done $0x0  }
0x12f: {  	s11 =	sadd.s32 $0x1400, s10;
	[sflag:s29] =	ssyncadd.s32 $0xFFFFE000  }
0x130: {  	[spmem:s3] =	stream.indirect.scatter.add.f32 [tilespmem:s21], [sflag:$0x5], $0x80, s11, s20, $0x2000b8;
	[tilespmem:$0x1E400] =	vst v63  }
0x131: {  	_ =	swait.ge [sflag:s18], $0x2000  }
0x132: {  	[sflag:s18] =	ssyncset.done $0x0  }
0x133: {  	s11 =	sadd.s32 $0x200, s10;
	[sflag:s18] =	ssyncadd.s32 $0xFFFFE000  }
0x134: {  	[tilespmem:s21], [sflag:$0x1] =	stream.indirect.gather [hbm4b:s2+s20], $0x80, s11, s20, $0x2000b8;
	[tilespmem:$0x1E400] =	vst v63  }
0x135: {  	_ =	swait.ge [sflag:s30], $0x2000  }
0x136: {  	[sflag:s30] =	ssyncset.done $0x0  }
0x137: {  	s11 =	sadd.s32 $0x1480, s10;
	[sflag:s30] =	ssyncadd.s32 $0xFFFFE000  }
0x138: {  	[spmem:s3] =	stream.indirect.scatter.add.f32 [tilespmem:s23], [sflag:$0x5], $0x80, s11, s20, $0x2000b8;
	[tilespmem:$0x1E400] =	vst v63  }
0x139: {  	_ =	swait.ge [sflag:s18], $0x2000  }
0x13a: {  	[sflag:s18] =	ssyncset.done $0x0  }
0x13b: {  	s11 =	sadd.s32 $0x280, s10;
	[sflag:s18] =	ssyncadd.s32 $0xFFFFE000  }
0x13c: {  	[tilespmem:s23], [sflag:$0x2] =	stream.indirect.gather [hbm4b:s2+s20], $0x80, s11, s20, $0x2000b8;
	[tilespmem:$0x1E400] =	vst v63  }
0x13d: {  	_ =	swait.ge [sflag:s31], $0x2000  }
0x13e: {  	[sflag:s31] =	ssyncset.done $0x0  }
0x13f: {  	s11 =	sadd.s32 $0x1500, s10;
	[sflag:s31] =	ssyncadd.s32 $0xFFFFE000  }
0x140: {  	[spmem:s3] =	stream.indirect.scatter.add.f32 [tilespmem:s25], [sflag:$0x5], $0x80, s11, s20, $0x2000b8;
	[tilespmem:$0x1E400] =	vst v63  }
0x141: {  	_ =	swait.ge [sflag:s18], $0x2000  }
0x142: {  	[sflag:s18] =	ssyncset.done $0x0  }
0x143: {  	s11 =	sadd.s32 $0x300, s10;
	[sflag:s18] =	ssyncadd.s32 $0xFFFFE000  }
0x144: {  	[tilespmem:s25], [sflag:$0x3] =	stream.indirect.gather [hbm4b:s2+s20], $0x80, s11, s20, $0x2000b8;
	[tilespmem:$0x1E400] =	vst v63  }
0x145: {  	_ =	swait.ge [sflag:s0], $0x2000  }
0x146: {  	[sflag:s0] =	ssyncset.done $0x0  }
.Ltmp2:
0x147: {  	s11 =	sadd.s32 $0x1580, s10;
	[sflag:s0] =	ssyncadd.s32 $0xFFFFE000;
	(pc) =	sbr.rel @p0 .LBB2_6-.Ltmp2, $4  }
0x148: {  	[spmem:s3] =	stream.indirect.scatter.add.f32 [tilespmem:s28], [sflag:$0x5], $0x80, s11, s20, $0x2000b8;
	[tilespmem:$0x1E400] =	vst v63  }
0x149: {  	_ =	swait.ge [sflag:s18], $0x2000  }
0x14a: {  	[sflag:s18] =	ssyncset.done $0x0  }
0x14b: {  	s10 =	sadd.s32 $0x380, s10;
	[sflag:s18] =	ssyncadd.s32 $0xFFFFE000  }
0x14c: {  	[tilespmem:s28], [sflag:$0x4] =	stream.indirect.gather [hbm4b:s2+s20], $0x80, s10, s20, $0x2000b8;
	[tilespmem:$0x1E400] =	vst v63  }
0x14d: {  	_ =	swait.ge [sflag:s29], $0x2000  }
0x14e: {  	[sflag:s29] =	ssyncset.done $0x0  }
0x14f: {  	[sflag:s29] =	ssyncadd.s32 $0xFFFFE000  }
0x150: {  	[spmem:s3] =	stream.indirect.scatter.add.f32 [tilespmem:s21], [sflag:$0x5], $0x80, s1, s20, $0x2000b8;
	[tilespmem:$0x1E400] =	vst v63  }
0x151: {  	_ =	swait.ge [sflag:s18], $0x2000  }
0x152: {  	[sflag:s18] =	ssyncset.done $0x0  }
0x153: {  	[sflag:s18] =	ssyncadd.s32 $0xFFFFE000  }
0x154: {  	_ =	swait.ge [sflag:s30], $0x2000  }
0x155: {  	[sflag:s30] =	ssyncset.done $0x0  }
0x156: {  	[sflag:s30] =	ssyncadd.s32 $0xFFFFE000  }
0x157: {  	[spmem:s3] =	stream.indirect.scatter.add.f32 [tilespmem:s23], [sflag:$0x5], $0x80, s5, s20, $0x2000b8;
	[tilespmem:$0x1E400] =	vst v63  }
0x158: {  	_ =	swait.ge [sflag:s18], $0x2000  }
0x159: {  	[sflag:s18] =	ssyncset.done $0x0  }
0x15a: {  	[sflag:s18] =	ssyncadd.s32 $0xFFFFE000  }
0x15b: {  	_ =	swait.ge [sflag:s31], $0x2000  }
0x15c: {  	[sflag:s31] =	ssyncset.done $0x0  }
0x15d: {  	[sflag:s31] =	ssyncadd.s32 $0xFFFFE000  }
0x15e: {  	[spmem:s3] =	stream.indirect.scatter.add.f32 [tilespmem:s25], [sflag:$0x5], $0x80, s6, s20, $0x2000b8;
	[tilespmem:$0x1E400] =	vst v63  }
0x15f: {  	_ =	swait.ge [sflag:s18], $0x2000  }
0x160: {  	[sflag:s18] =	ssyncset.done $0x0  }
0x161: {  	[sflag:s18] =	ssyncadd.s32 $0xFFFFE000  }
0x162: {  	_ =	swait.ge [sflag:s0], $0x2000  }
0x163: {  	[sflag:s0] =	ssyncset.done $0x0  }
0x164: {  	[sflag:s0] =	ssyncadd.s32 $0xFFFFE000  }
0x165: {  	[spmem:s3] =	stream.indirect.scatter.add.f32 [tilespmem:s28], [sflag:$0x5], $0x80, s7, s20, $0x2000b8;
	[tilespmem:$0x1E400] =	vst v63  }
0x166: {  	_ =	swait.ge [sflag:s18], $0x2000  }
0x167: {  	[sflag:s18] =	ssyncset.done $0x0  }
0x168: {  	s9 =	simm.s32 $0x0;
	[sflag:s18] =	ssyncadd.s32 $0xFFFFE000  }
0x169: {  	[tilespmem:s9], [sflag:$0x5] =	stream.linear.gather [hbm4b:s12+s9], $0x1400, $0x200038;
	[tilespmem:$0x1E400] =	vst v63  }
0x16a: {  	_ =	swait.ge [sflag:s18], $0x1400  }
0x16b: {  	[sflag:s18] =	ssyncset.done $0x0  }
0x16c: {  	[sflag:s18] =	ssyncadd.s32 $0xFFFFEC00  }
0x16d: {  	[tilespmem:s19], [sflag:$0x5] =	stream.linear.gather [hbm4b:s13+s9], $0x1400, $0x200038;
	[tilespmem:$0x1E400] =	vst v63  }
0x16e: {  	_ =	swait.ge [sflag:s18], $0x1400  }
0x16f: {  	[sflag:s18] =	ssyncset.done $0x0  }
0x170: {  	[sflag:s18] =	ssyncadd.s32 $0xFFFFEC00  }
0x171: {  	[tilespmem:s21], [sflag:$0x1] =	stream.indirect.gather [hbm4b:s2+s20], $0x80, s9, s20, $0x2000b8;
	[tilespmem:$0x1E400] =	vst v63  }
0x172: {  	_ = 	snop  }
0x173: {  	[tilespmem:s23], [sflag:$0x2] =	stream.indirect.gather [hbm4b:s2+s20], $0x80, s22, s20, $0x2000b8;
	[tilespmem:$0x1E400] =	vst v63  }
0x174: {  	_ = 	snop  }
0x175: {  	[tilespmem:s25], [sflag:$0x3] =	stream.indirect.gather [hbm4b:s2+s20], $0x80, s24, s20, $0x2000b8;
	[tilespmem:$0x1E400] =	vst v63  }
0x176: {  	_ = 	snop  }
0x177: {  	[tilespmem:s28], [sflag:$0x4] =	stream.indirect.gather [hbm4b:s2+s20], $0x80, s26, s20, $0x2000b8;
	[tilespmem:$0x1E400] =	vst v63  }
0x178: {  	_ =	swait.ge [sflag:s29], $0x2000  }
0x179: {  	[sflag:s29] =	ssyncset.done $0x0  }
0x17a: {  	s11 =	simm.s32 $0x1400;
	[sflag:s29] =	ssyncadd.s32 $0xFFFFE000  }
0x17b: {  	[spmem:s3] =	stream.indirect.scatter.add.f32 [tilespmem:s21], [sflag:$0x5], $0x80, s11, s20, $0x2000b8;
	[tilespmem:$0x1E400] =	vst v63  }
0x17c: {  	_ =	swait.ge [sflag:s18], $0x2000  }
0x17d: {  	[sflag:s18] =	ssyncset.done $0x0  }
0x17e: {  	s10 =	simm.s32 $0x200;
	[sflag:s18] =	ssyncadd.s32 $0xFFFFE000  }
0x17f: {  	[tilespmem:s21], [sflag:$0x1] =	stream.indirect.gather [hbm4b:s2+s20], $0x80, s10, s20, $0x2000b8;
	[tilespmem:$0x1E400] =	vst v63  }
0x180: {  	_ =	swait.ge [sflag:s30], $0x2000  }
0x181: {  	[sflag:s30] =	ssyncset.done $0x0  }
0x182: {  	s11 =	simm.s32 $0x1480;
	[sflag:s30] =	ssyncadd.s32 $0xFFFFE000  }
0x183: {  	[spmem:s3] =	stream.indirect.scatter.add.f32 [tilespmem:s23], [sflag:$0x5], $0x80, s11, s20, $0x2000b8;
	[tilespmem:$0x1E400] =	vst v63  }
0x184: {  	_ =	swait.ge [sflag:s18], $0x2000  }
0x185: {  	[sflag:s18] =	ssyncset.done $0x0  }
0x186: {  	s10 =	simm.s32 $0x280;
	[sflag:s18] =	ssyncadd.s32 $0xFFFFE000  }
0x187: {  	[tilespmem:s23], [sflag:$0x2] =	stream.indirect.gather [hbm4b:s2+s20], $0x80, s10, s20, $0x2000b8;
	[tilespmem:$0x1E400] =	vst v63  }
0x188: {  	_ =	swait.ge [sflag:s31], $0x2000  }
0x189: {  	[sflag:s31] =	ssyncset.done $0x0  }
0x18a: {  	s11 =	simm.s32 $0x1500;
	[sflag:s31] =	ssyncadd.s32 $0xFFFFE000  }
0x18b: {  	[spmem:s3] =	stream.indirect.scatter.add.f32 [tilespmem:s25], [sflag:$0x5], $0x80, s11, s20, $0x2000b8;
	[tilespmem:$0x1E400] =	vst v63  }
0x18c: {  	_ =	swait.ge [sflag:s18], $0x2000  }
0x18d: {  	[sflag:s18] =	ssyncset.done $0x0  }
0x18e: {  	s10 =	simm.s32 $0x300;
	[sflag:s18] =	ssyncadd.s32 $0xFFFFE000  }
0x18f: {  	[tilespmem:s25], [sflag:$0x3] =	stream.indirect.gather [hbm4b:s2+s20], $0x80, s10, s20, $0x2000b8;
	[tilespmem:$0x1E400] =	vst v63  }
0x190: {  	_ =	swait.ge [sflag:s0], $0x2000  }
0x191: {  	[sflag:s0] =	ssyncset.done $0x0  }
0x192: {  	s11 =	simm.s32 $0x1580;
	[sflag:s0] =	ssyncadd.s32 $0xFFFFE000  }
0x193: {  	[spmem:s3] =	stream.indirect.scatter.add.f32 [tilespmem:s28], [sflag:$0x5], $0x80, s11, s20, $0x2000b8;
	[tilespmem:$0x1E400] =	vst v63  }
0x194: {  	_ =	swait.ge [sflag:s18], $0x2000  }
0x195: {  	[sflag:s18] =	ssyncset.done $0x0  }
0x196: {  	s9 =	simm.s32 $0x800;
	s10 =	simm.s32 $0x380;
	[sflag:s18] =	ssyncadd.s32 $0xFFFFE000  }
.LBB2_8:
0x197: {  	[tilespmem:s28], [sflag:$0x4] =	stream.indirect.gather [hbm4b:s2+s20], $0x80, s10, s20, $0x2000b8;
	[tilespmem:$0x1E400] =	vst v63  }
0x198: {  	s10 =	smov.u32 s9  }
0x199: {  	p0 =	sne.s32 s9, $0x4000;
	s9 =	sadd.s32 $0x800, s9;
	_ =	swait.ge [sflag:s29], $0x2000  }
0x19a: {  	s10 =	sshra.s32 s10, $0x2;
	[sflag:s29] =	ssyncset.done $0x0  }
0x19b: {  	s11 =	sadd.s32 $0x1400, s10;
	[sflag:s29] =	ssyncadd.s32 $0xFFFFE000  }
0x19c: {  	[spmem:s3] =	stream.indirect.scatter.add.f32 [tilespmem:s21], [sflag:$0x5], $0x80, s11, s20, $0x2000b8;
	[tilespmem:$0x1E400] =	vst v63  }
0x19d: {  	_ =	swait.ge [sflag:s18], $0x2000  }
0x19e: {  	[sflag:s18] =	ssyncset.done $0x0  }
0x19f: {  	s11 =	sadd.s32 $0x200, s10;
	[sflag:s18] =	ssyncadd.s32 $0xFFFFE000  }
0x1a0: {  	[tilespmem:s21], [sflag:$0x1] =	stream.indirect.gather [hbm4b:s2+s20], $0x80, s11, s20, $0x2000b8;
	[tilespmem:$0x1E400] =	vst v63  }
0x1a1: {  	_ =	swait.ge [sflag:s30], $0x2000  }
0x1a2: {  	[sflag:s30] =	ssyncset.done $0x0  }
0x1a3: {  	s11 =	sadd.s32 $0x1480, s10;
	[sflag:s30] =	ssyncadd.s32 $0xFFFFE000  }
0x1a4: {  	[spmem:s3] =	stream.indirect.scatter.add.f32 [tilespmem:s23], [sflag:$0x5], $0x80, s11, s20, $0x2000b8;
	[tilespmem:$0x1E400] =	vst v63  }
0x1a5: {  	_ =	swait.ge [sflag:s18], $0x2000  }
0x1a6: {  	[sflag:s18] =	ssyncset.done $0x0  }
0x1a7: {  	s11 =	sadd.s32 $0x280, s10;
	[sflag:s18] =	ssyncadd.s32 $0xFFFFE000  }
0x1a8: {  	[tilespmem:s23], [sflag:$0x2] =	stream.indirect.gather [hbm4b:s2+s20], $0x80, s11, s20, $0x2000b8;
	[tilespmem:$0x1E400] =	vst v63  }
0x1a9: {  	_ =	swait.ge [sflag:s31], $0x2000  }
0x1aa: {  	[sflag:s31] =	ssyncset.done $0x0  }
0x1ab: {  	s11 =	sadd.s32 $0x1500, s10;
	[sflag:s31] =	ssyncadd.s32 $0xFFFFE000  }
0x1ac: {  	[spmem:s3] =	stream.indirect.scatter.add.f32 [tilespmem:s25], [sflag:$0x5], $0x80, s11, s20, $0x2000b8;
	[tilespmem:$0x1E400] =	vst v63  }
0x1ad: {  	_ =	swait.ge [sflag:s18], $0x2000  }
0x1ae: {  	[sflag:s18] =	ssyncset.done $0x0  }
0x1af: {  	s11 =	sadd.s32 $0x300, s10;
	[sflag:s18] =	ssyncadd.s32 $0xFFFFE000  }
0x1b0: {  	[tilespmem:s25], [sflag:$0x3] =	stream.indirect.gather [hbm4b:s2+s20], $0x80, s11, s20, $0x2000b8;
	[tilespmem:$0x1E400] =	vst v63  }
0x1b1: {  	_ =	swait.ge [sflag:s0], $0x2000  }
0x1b2: {  	[sflag:s0] =	ssyncset.done $0x0  }
.Ltmp3:
0x1b3: {  	s11 =	sadd.s32 $0x1580, s10;
	[sflag:s0] =	ssyncadd.s32 $0xFFFFE000;
	(pc) =	sbr.rel @p0 .LBB2_8-.Ltmp3, $4  }
0x1b4: {  	[spmem:s3] =	stream.indirect.scatter.add.f32 [tilespmem:s28], [sflag:$0x5], $0x80, s11, s20, $0x2000b8;
	[tilespmem:$0x1E400] =	vst v63  }
0x1b5: {  	_ =	swait.ge [sflag:s18], $0x2000  }
0x1b6: {  	[sflag:s18] =	ssyncset.done $0x0  }
0x1b7: {  	s10 =	sadd.s32 $0x380, s10;
	[sflag:s18] =	ssyncadd.s32 $0xFFFFE000  }
0x1b8: {  	[tilespmem:s28], [sflag:$0x4] =	stream.indirect.gather [hbm4b:s2+s20], $0x80, s10, s20, $0x2000b8;
	[tilespmem:$0x1E400] =	vst v63  }
0x1b9: {  	_ =	swait.ge [sflag:s29], $0x2000  }
0x1ba: {  	[sflag:s29] =	ssyncset.done $0x0  }
0x1bb: {  	[sflag:s29] =	ssyncadd.s32 $0xFFFFE000  }
0x1bc: {  	[spmem:s3] =	stream.indirect.scatter.add.f32 [tilespmem:s21], [sflag:$0x5], $0x80, s1, s20, $0x2000b8;
	[tilespmem:$0x1E400] =	vst v63  }
0x1bd: {  	_ =	swait.ge [sflag:s18], $0x2000  }
0x1be: {  	[sflag:s18] =	ssyncset.done $0x0  }
0x1bf: {  	[sflag:s18] =	ssyncadd.s32 $0xFFFFE000  }
0x1c0: {  	_ =	swait.ge [sflag:s30], $0x2000  }
0x1c1: {  	[sflag:s30] =	ssyncset.done $0x0  }
0x1c2: {  	[sflag:s30] =	ssyncadd.s32 $0xFFFFE000  }
0x1c3: {  	[spmem:s3] =	stream.indirect.scatter.add.f32 [tilespmem:s23], [sflag:$0x5], $0x80, s5, s20, $0x2000b8;
	[tilespmem:$0x1E400] =	vst v63  }
0x1c4: {  	_ =	swait.ge [sflag:s18], $0x2000  }
0x1c5: {  	[sflag:s18] =	ssyncset.done $0x0  }
0x1c6: {  	[sflag:s18] =	ssyncadd.s32 $0xFFFFE000  }
0x1c7: {  	_ =	swait.ge [sflag:s31], $0x2000  }
0x1c8: {  	[sflag:s31] =	ssyncset.done $0x0  }
0x1c9: {  	[sflag:s31] =	ssyncadd.s32 $0xFFFFE000  }
0x1ca: {  	[spmem:s3] =	stream.indirect.scatter.add.f32 [tilespmem:s25], [sflag:$0x5], $0x80, s6, s20, $0x2000b8;
	[tilespmem:$0x1E400] =	vst v63  }
0x1cb: {  	_ =	swait.ge [sflag:s18], $0x2000  }
0x1cc: {  	[sflag:s18] =	ssyncset.done $0x0  }
0x1cd: {  	[sflag:s18] =	ssyncadd.s32 $0xFFFFE000  }
0x1ce: {  	_ =	swait.ge [sflag:s0], $0x2000  }
0x1cf: {  	[sflag:s0] =	ssyncset.done $0x0  }
0x1d0: {  	[sflag:s0] =	ssyncadd.s32 $0xFFFFE000  }
0x1d1: {  	[spmem:s3] =	stream.indirect.scatter.add.f32 [tilespmem:s28], [sflag:$0x5], $0x80, s7, s20, $0x2000b8;
	[tilespmem:$0x1E400] =	vst v63  }
0x1d2: {  	_ =	swait.ge [sflag:s18], $0x2000  }
0x1d3: {  	[sflag:s18] =	ssyncset.done $0x0  }
0x1d4: {  	[sflag:s18] =	ssyncadd.s32 $0xFFFFE000  }
0x1d5: {  	[bflag:$0x0] =	sbarrier.arrive $0xFFFF  }
0x1d6: {  	s8 =	sadd.s32 $0x1, s8;
	_ =	strace $0x90000049  }
0x1d7: {  	p0 =	sne.s32 s8, s15;
	_ =	strace $0x8000004A  }
0x1d8: {  	[hbm:s14], [sflag:s16] =	dma.local [spmem:s17], $0x2780  }
.Ltmp4:
0x1d9: {  	_ = 	snop;
	(pc) =	sbr.rel @p0 .LBB2_1-.Ltmp4, $4  }
0x1da: {  	_ =	swait.ge [sflag:s18], $0x2780  }
0x1db: {  	[sflag:s18] =	ssyncset.done $0x0  }
0x1dc: {  	[sflag:s18] =	ssyncadd.s32 $0xFFFFD880  }
0x1dd: {  	_ =	strace $0x9000004A  }
0x1de: {  	_ =	sfence.sel $0x180000  }
0x1df: {  	[bflag:$0x0] =	sbarrier.arrive $0xFFFF  }
0x1e0: {  	_ =	strace $0x90000047  }
0x1e1: {  	s0 =	stileid.u32;
	[bflag:$0x2] =	sbarrier.arrive $0xFFFF  }
0x1e2: {  	p0 =	sne.s32 s0, $0x0;
	s0 =	rddreg [dreg:$0x3]  }
0x1e3: {  	s0 =	sadd.s32 @!p0 $0x100000, s0  }
0x1e4: {  	[sflag:s0] =	ssyncadd.tile.s32 @!p0 $0x1;
	_ =	shalt  }
.Lfunc_end2:
_tile_overlayer_lowered:
.L_overlay_start_2:
0x1e5: {  	(tag) =	ssettag $0x2  }
0x1e6: {  	s0 =	rddreg [dreg:$0x0];
	s2 =	stileid.u32  }
0x1e7: {  	s1 =	rddreg [dreg:$0x1];
	p0 =	sne.s32 s2, $0x0  }
0x1e8: {  	s3 =	rddreg [dreg:$0x2];
	[bflag:$0x3] =	sbarrier.arrive $0xFFFF;
	s2 =	simm.s32 @!p0 $0x1C05  }
0x1e9: {  	[timem:s3], [sflag:s2] =	dma.local @!p0 [hbm:s0], s1  }
0x1ea: {  	s0 =	simm.s32 @!p0 $0x5  }
0x1eb: {  	_ =	swait.ge @!p0 [sflag:s0], s1  }
0x1ec: {  	s1 =	ssub.s32 @!p0 $0x0, s1;
	[sflag:s0] =	ssyncset.done @!p0 $0x0  }
0x1ed: {  	[sflag:s0] =	ssyncadd.s32 @!p0 s1  }
0x1ee: {  	[bflag:$0x3] =	sbarrier.arrive $0xFFFF  }
0x1ef: {  	_ =	shalt  }

</sc_bundles>
